<compile_context>
chip_gen: v7x
topology: tpu7x:2x2x1
jax: 0.10.2.dev20260603
libtpu: 0.0.44.dev20260713+nightly
codegen_flags: <defaults>
</compile_context>

<pallas_src>
import jax
import jax.numpy as jnp
from jax import lax
from jax.experimental import pallas as pl
from jax.experimental.pallas import tpu as pltpu
from jax.experimental.pallas import tpu_sc as plsc

N = 10000
E = 320000
NP = 10240
NT = 32
NC = 2
ET = E // NT
CH = ET // 16

_MESH = plsc.VectorSubcoreMesh(core_axis_name="c", subcore_axis_name="s")
_SC_PARAMS = pltpu.CompilerParams(needs_layout_passes=False, disable_bounds_checks=True, disable_semaphore_checks=True)


def _wid():
    return lax.axis_index("s") * NC + lax.axis_index("c")



def _hist_body(dst_hbm, out_hbm, dst_v, acc_v, sem):
    t = _wid()
    cp = pltpu.async_copy(dst_hbm.at[pl.ds(t * ET, ET)], dst_v, sem)

    @plsc.parallel_loop(0, NP // 256, unroll=4)
    def _(j):
        base = j * 256
        for u in range(16):
            acc_v[pl.ds(base + u * 16, 16)] = jnp.zeros((16,), jnp.float32)

    cp.wait()
    ones = jnp.ones((16,), jnp.float32)

    @plsc.parallel_loop(0, CH, unroll=16)
    def _(i):
        d = dst_v[pl.ds(i * 16, 16)]
        plsc.addupdate_scatter(acc_v, [d], ones)
    pltpu.sync_copy(acc_v, out_hbm.at[t])


_hist = pl.kernel(
    _hist_body,
    out_type=jax.ShapeDtypeStruct((NT, NP), jnp.float32),
    mesh=_MESH,
    compiler_params=_SC_PARAMS,
    scratch_types=[
        pltpu.VMEM((ET,), jnp.int32),
        pltpu.VMEM((NP,), jnp.float32),
        pltpu.SemaphoreType.DMA,
    ],
)



def _dense_body(x_ref, we_ref, be_ref, wl_ref, bl_ref, wc_ref, hc_ref):
    hi = lax.Precision.HIGHEST
    m1 = jnp.dot(we_ref[...], wl_ref[...], precision=hi)
    wf = jnp.dot(m1, wc_ref[...], precision=hi)
    b2 = jnp.dot(be_ref[...], wl_ref[...], precision=hi) + bl_ref[...]
    bft = lax.dot_general(wc_ref[...], b2, (((0,), (1,)), ((), ())),
                          precision=hi)
    hct = lax.dot_general(wf, x_ref[...], (((0,), (1,)), ((), ())),
                          precision=hi) + bft
    hc_ref[...] = jnp.concatenate(
        [hct, jnp.zeros((3, NP - N), jnp.float32)], axis=1)


_dense = pl.pallas_call(
    _dense_body,
    out_shape=jax.ShapeDtypeStruct((3, NP), jnp.float32),
)


def _scale_body(hc_ref, hp_ref, gp_ref):
    deg = jnp.sum(hp_ref[...], axis=0, keepdims=True) + 1.0
    dinv = lax.rsqrt(deg)
    g3 = hc_ref[...] * dinv
    gp_ref[...] = jnp.concatenate(
        [g3, dinv, jnp.zeros((4, NP), jnp.float32)], axis=0)


_scale = pl.pallas_call(
    _scale_body,
    out_shape=jax.ShapeDtypeStruct((8, NP), jnp.float32),
)



def _msg_body(src_hbm, dst_hbm, gp_hbm, out_hbm,
              src_v, dst_v, g0, g1, g2, a0, a1, a2, sem):
    t = _wid()
    cps = [
        pltpu.async_copy(src_hbm.at[pl.ds(t * ET, ET)], src_v, sem),
        pltpu.async_copy(dst_hbm.at[pl.ds(t * ET, ET)], dst_v, sem),
        pltpu.async_copy(gp_hbm.at[0], g0, sem),
        pltpu.async_copy(gp_hbm.at[1], g1, sem),
        pltpu.async_copy(gp_hbm.at[2], g2, sem),
    ]

    @plsc.parallel_loop(0, NP // 128, unroll=4)
    def _(j):
        base = j * 128
        for u in range(8):
            z = jnp.zeros((16,), jnp.float32)
            a0[pl.ds(base + u * 16, 16)] = z
            a1[pl.ds(base + u * 16, 16)] = z
            a2[pl.ds(base + u * 16, 16)] = z

    for cp in cps:
        cp.wait()

    @plsc.parallel_loop(0, CH, unroll=16)
    def _(i):
        s = src_v[pl.ds(i * 16, 16)]
        d = dst_v[pl.ds(i * 16, 16)]
        v0 = plsc.load_gather(g0, [s])
        v1 = plsc.load_gather(g1, [s])
        v2 = plsc.load_gather(g2, [s])
        plsc.addupdate_scatter(a0, [d], v0)
        plsc.addupdate_scatter(a1, [d], v1)
        plsc.addupdate_scatter(a2, [d], v2)

    pltpu.sync_copy(a0, out_hbm.at[t])
    pltpu.sync_copy(a1, out_hbm.at[NT + t])
    pltpu.sync_copy(a2, out_hbm.at[2 * NT + t])


_msg = pl.kernel(
    _msg_body,
    out_type=jax.ShapeDtypeStruct((3 * NT, NP), jnp.float32),
    mesh=_MESH,
    compiler_params=_SC_PARAMS,
    scratch_types=[
        pltpu.VMEM((ET,), jnp.int32),
        pltpu.VMEM((ET,), jnp.int32),
        pltpu.VMEM((NP,), jnp.float32),
        pltpu.VMEM((NP,), jnp.float32),
        pltpu.VMEM((NP,), jnp.float32),
        pltpu.VMEM((NP,), jnp.float32),
        pltpu.VMEM((NP,), jnp.float32),
        pltpu.VMEM((NP,), jnp.float32),
        pltpu.SemaphoreType.DMA,
    ],
)



def _final_body(sp_ref, gp_ref, bc_ref, out_ref):
    dinv = gp_ref[3:4, :]
    rows = []
    for c in range(3):
        s = jnp.sum(sp_ref[c * NT:(c + 1) * NT, :], axis=0, keepdims=True)
        rows.append(dinv * (s + gp_ref[c:c + 1, :]) + bc_ref[0:1, c:c + 1])
    out_ref[...] = jnp.concatenate(
        rows + [jnp.zeros((5, NP), jnp.float32)], axis=0)


_final = pl.pallas_call(
    _final_body,
    out_shape=jax.ShapeDtypeStruct((8, NP), jnp.float32),
)


def kernel(x, edge_index, W_emb, b_emb, W_lin, b_lin, W_conv, b_conv):
    src = edge_index[0]
    dst = edge_index[1]
    hp = _hist(dst)
    hc = _dense(x, W_emb, b_emb.reshape(1, -1), W_lin, b_lin.reshape(1, -1),
                W_conv)
    gp = _scale(hc, hp)
    sp = _msg(src, dst, gp)
    out_t = _final(sp, gp, b_conv.reshape(1, -1))
    return out_t[:3, :N].T

# --- scband reference (transcript-rebuilt; emitter-appended) ---
"""Pipeline reference for scband-gcn-53403623358580 (READ-ONLY COPY).

The authoritative reference and input builder live on the scoring server;
editing this copy changes nothing except your own understanding.
"""

import jax, jax.numpy as jnp
import numpy as np

N = 10000
E = 320000
D_IN = 128
D_EMB = 128
HID = 32
C = 3


def setup_inputs(seed: int = 0) -> dict:
    key = jax.random.key(seed)
    ks = jax.random.split(key, 8)
    x = jax.random.normal(ks[0], (N, D_IN), dtype=jnp.float32)
    edge_index = jax.random.randint(ks[1], (2, E), 0, N, dtype=jnp.int32)
    W_emb = jax.random.normal(ks[2], (D_IN, D_EMB), dtype=jnp.float32) * (1.0 / np.sqrt(D_IN))
    b_emb = jnp.zeros((D_EMB,), dtype=jnp.float32)
    W_lin = jax.random.normal(ks[3], (D_EMB, HID), dtype=jnp.float32) * (1.0 / np.sqrt(D_EMB))
    b_lin = jnp.zeros((HID,), dtype=jnp.float32)
    W_conv = jax.random.normal(ks[4], (HID, C), dtype=jnp.float32) * (1.0 / np.sqrt(HID))
    b_conv = jnp.zeros((C,), dtype=jnp.float32)
    return {"x": x, "edge_index": edge_index, "W_emb": W_emb, "b_emb": b_emb,
            "W_lin": W_lin, "b_lin": b_lin, "W_conv": W_conv, "b_conv": b_conv}


def _gcn_conv(x, edge_index, W, b):
    # PyG GCNConv: add self-loops, symmetric D^{-1/2} (A+I) D^{-1/2} normalization
    n = x.shape[0]
    loop = jnp.arange(n, dtype=edge_index.dtype)
    src = jnp.concatenate([edge_index[0], loop])
    dst = jnp.concatenate([edge_index[1], loop])
    deg = jnp.zeros((n,), dtype=x.dtype).at[dst].add(1.0)
    deg_inv_sqrt = jnp.where(deg > 0, 1.0 / jnp.sqrt(deg), 0.0)
    norm = deg_inv_sqrt[src] * deg_inv_sqrt[dst]
    h = x @ W
    msg = h[src] * norm[:, None]
    out = jnp.zeros((n, h.shape[1]), dtype=x.dtype).at[dst].add(msg)
    return out + b


def reference(x, edge_index, W_emb, b_emb, W_lin, b_lin, W_conv, b_conv):
    h = x @ W_emb + b_emb          # embedder: Sequential(Linear(128,128))
    h = h @ W_lin + b_lin          # self.linear: Linear(128, 32)
    out = _gcn_conv(h, edge_index, W_conv, b_conv)  # GCNConv(32, 3)
    return out

if __name__ == "__main__":
    import jax
    _d = setup_inputs()
    print(jax.jit(kernel)(*tuple(_d.values())))

</pallas_src>

<mosaic_0001>
#map = affine_map<(d0, d1) -> (0)>
#map1 = affine_map<(d0, d1) -> (0, 0)>
module attributes {stable_mosaic.version = 14 : i64} {
  func.func @_hist_body(%arg0: i32, %arg1: i32, %arg2: memref<320000xi32, #tpu.memory_space<hbm>>, %arg3: memref<32x10240xf32, #tpu.memory_space<hbm>>, %arg4: memref<10000xi32, #tpu.memory_space<vmem>>, %arg5: memref<10240xf32, #tpu.memory_space<vmem>>, %arg6: memref<!tpu.dma_semaphore, #tpu.memory_space<semaphore_mem>>) attributes {dimension_semantics = [#tpu.dimension_semantics<core_parallel>, #tpu.dimension_semantics<subcore_parallel>], iteration_bounds = array<i64: 2, 16>, scalar_prefetch = 0 : i64, scratch_operands = 3 : i64, tpu.core_type = #tpu.core_type<sc_vector_subcore>, window_params = [{transform_indices = #map}, {transform_indices = #map1}]} {
    %mul3A = arith.constant 2 : i32
    %mul3A_0 = arith.muli %arg1, %mul3A : i32
    %add3A = arith.addi %mul3A_0, %arg0 : i32
    %mul3A_1 = arith.constant 10000 : i32
    %mul3A_2 = arith.muli %add3A, %mul3A_1 : i32
    %dma_start3A = tpu.memref_slice %arg2[%mul3A_2] : memref<320000xi32, #tpu.memory_space<hbm>> -> memref<10000xi32, #tpu.memory_space<hbm>>
    %dma_start3A_3 = tpu.memref_slice %arg2[%mul3A_2] : memref<320000xi32, #tpu.memory_space<hbm>> -> memref<10000xi32, #tpu.memory_space<hbm>>
    tpu.enqueue_dma source(%dma_start3A_3 : memref<10000xi32, #tpu.memory_space<hbm>>) target(%arg4 : memref<10000xi32, #tpu.memory_space<vmem>>) target_semaphore(%arg6 : memref<!tpu.dma_semaphore, #tpu.memory_space<semaphore_mem>>)
    %parallel_loop3A = arith.constant 0 : i32
    %parallel_loop3A_4 = arith.constant 40 : i32
    %parallel_loop3A_5 = arith.constant 1 : i32
    scf.for %parallel_loop3A_11 = %parallel_loop3A to %parallel_loop3A_4 step %parallel_loop3A_5  : i32 {
      %parallel_loop3A_12 = arith.constant 256 : i32
      %parallel_loop3A_13 = arith.muli %parallel_loop3A_11, %parallel_loop3A_12 : i32
      %parallel_loop3A_14 = arith.constant 0.000000e+00 : f32
      %parallel_loop3A_15 = vector.broadcast %parallel_loop3A_14 : f32 to vector<16xf32>
      %parallel_loop3A_16 = arith.constant 0 : i32
      %parallel_loop3A_17 = arith.addi %parallel_loop3A_13, %parallel_loop3A_16 : i32
      %parallel_loop3A_18 = arith.index_cast %parallel_loop3A_17 : i32 to index
      %parallel_loop3A_19 = tpu.vector_load %arg5[%parallel_loop3A_18] {strides = array<i32>} : memref<10240xf32, #tpu.memory_space<vmem>>, vector<16xf32>,
      tpu.vector_store %arg5[%parallel_loop3A_18], %parallel_loop3A_15 {strides = array<i32>} : memref<10240xf32, #tpu.memory_space<vmem>>, vector<16xf32>,
      %parallel_loop3A_20 = arith.constant 0.000000e+00 : f32
      %parallel_loop3A_21 = vector.broadcast %parallel_loop3A_20 : f32 to vector<16xf32>
      %parallel_loop3A_22 = arith.constant 16 : i32
      %parallel_loop3A_23 = arith.addi %parallel_loop3A_13, %parallel_loop3A_22 : i32
      %parallel_loop3A_24 = arith.index_cast %parallel_loop3A_23 : i32 to index
      %parallel_loop3A_25 = tpu.vector_load %arg5[%parallel_loop3A_24] {strides = array<i32>} : memref<10240xf32, #tpu.memory_space<vmem>>, vector<16xf32>,
      tpu.vector_store %arg5[%parallel_loop3A_24], %parallel_loop3A_21 {strides = array<i32>} : memref<10240xf32, #tpu.memory_space<vmem>>, vector<16xf32>,
      %parallel_loop3A_26 = arith.constant 0.000000e+00 : f32
      %parallel_loop3A_27 = vector.broadcast %parallel_loop3A_26 : f32 to vector<16xf32>
      %parallel_loop3A_28 = arith.constant 32 : i32
      %parallel_loop3A_29 = arith.addi %parallel_loop3A_13, %parallel_loop3A_28 : i32
      %parallel_loop3A_30 = arith.index_cast %parallel_loop3A_29 : i32 to index
      %parallel_loop3A_31 = tpu.vector_load %arg5[%parallel_loop3A_30] {strides = array<i32>} : memref<10240xf32, #tpu.memory_space<vmem>>, vector<16xf32>,
      tpu.vector_store %arg5[%parallel_loop3A_30], %parallel_loop3A_27 {strides = array<i32>} : memref<10240xf32, #tpu.memory_space<vmem>>, vector<16xf32>,
      %parallel_loop3A_32 = arith.constant 0.000000e+00 : f32
      %parallel_loop3A_33 = vector.broadcast %parallel_loop3A_32 : f32 to vector<16xf32>
      %parallel_loop3A_34 = arith.constant 48 : i32
      %parallel_loop3A_35 = arith.addi %parallel_loop3A_13, %parallel_loop3A_34 : i32
      %parallel_loop3A_36 = arith.index_cast %parallel_loop3A_35 : i32 to index
      %parallel_loop3A_37 = tpu.vector_load %arg5[%parallel_loop3A_36] {strides = array<i32>} : memref<10240xf32, #tpu.memory_space<vmem>>, vector<16xf32>,
      tpu.vector_store %arg5[%parallel_loop3A_36], %parallel_loop3A_33 {strides = array<i32>} : memref<10240xf32, #tpu.memory_space<vmem>>, vector<16xf32>,
      %parallel_loop3A_38 = arith.constant 0.000000e+00 : f32
      %parallel_loop3A_39 = vector.broadcast %parallel_loop3A_38 : f32 to vector<16xf32>
      %parallel_loop3A_40 = arith.constant 64 : i32
      %parallel_loop3A_41 = arith.addi %parallel_loop3A_13, %parallel_loop3A_40 : i32
      %parallel_loop3A_42 = arith.index_cast %parallel_loop3A_41 : i32 to index
      %parallel_loop3A_43 = tpu.vector_load %arg5[%parallel_loop3A_42] {strides = array<i32>} : memref<10240xf32, #tpu.memory_space<vmem>>, vector<16xf32>,
      tpu.vector_store %arg5[%parallel_loop3A_42], %parallel_loop3A_39 {strides = array<i32>} : memref<10240xf32, #tpu.memory_space<vmem>>, vector<16xf32>,
      %parallel_loop3A_44 = arith.constant 0.000000e+00 : f32
      %parallel_loop3A_45 = vector.broadcast %parallel_loop3A_44 : f32 to vector<16xf32>
      %parallel_loop3A_46 = arith.constant 80 : i32
      %parallel_loop3A_47 = arith.addi %parallel_loop3A_13, %parallel_loop3A_46 : i32
      %parallel_loop3A_48 = arith.index_cast %parallel_loop3A_47 : i32 to index
      %parallel_loop3A_49 = tpu.vector_load %arg5[%parallel_loop3A_48] {strides = array<i32>} : memref<10240xf32, #tpu.memory_space<vmem>>, vector<16xf32>,
      tpu.vector_store %arg5[%parallel_loop3A_48], %parallel_loop3A_45 {strides = array<i32>} : memref<10240xf32, #tpu.memory_space<vmem>>, vector<16xf32>,
      %parallel_loop3A_50 = arith.constant 0.000000e+00 : f32
      %parallel_loop3A_51 = vector.broadcast %parallel_loop3A_50 : f32 to vector<16xf32>
      %parallel_loop3A_52 = arith.constant 96 : i32
      %parallel_loop3A_53 = arith.addi %parallel_loop3A_13, %parallel_loop3A_52 : i32
      %parallel_loop3A_54 = arith.index_cast %parallel_loop3A_53 : i32 to index
      %parallel_loop3A_55 = tpu.vector_load %arg5[%parallel_loop3A_54] {strides = array<i32>} : memref<10240xf32, #tpu.memory_space<vmem>>, vector<16xf32>,
      tpu.vector_store %arg5[%parallel_loop3A_54], %parallel_loop3A_51 {strides = array<i32>} : memref<10240xf32, #tpu.memory_space<vmem>>, vector<16xf32>,
      %parallel_loop3A_56 = arith.constant 0.000000e+00 : f32
      %parallel_loop3A_57 = vector.broadcast %parallel_loop3A_56 : f32 to vector<16xf32>
      %parallel_loop3A_58 = arith.constant 112 : i32
      %parallel_loop3A_59 = arith.addi %parallel_loop3A_13, %parallel_loop3A_58 : i32
      %parallel_loop3A_60 = arith.index_cast %parallel_loop3A_59 : i32 to index
      %parallel_loop3A_61 = tpu.vector_load %arg5[%parallel_loop3A_60] {strides = array<i32>} : memref<10240xf32, #tpu.memory_space<vmem>>, vector<16xf32>,
      tpu.vector_store %arg5[%parallel_loop3A_60], %parallel_loop3A_57 {strides = array<i32>} : memref<10240xf32, #tpu.memory_space<vmem>>, vector<16xf32>,
      %parallel_loop3A_62 = arith.constant 0.000000e+00 : f32
      %parallel_loop3A_63 = vector.broadcast %parallel_loop3A_62 : f32 to vector<16xf32>
      %parallel_loop3A_64 = arith.constant 128 : i32
      %parallel_loop3A_65 = arith.addi %parallel_loop3A_13, %parallel_loop3A_64 : i32
      %parallel_loop3A_66 = arith.index_cast %parallel_loop3A_65 : i32 to index
      %parallel_loop3A_67 = tpu.vector_load %arg5[%parallel_loop3A_66] {strides = array<i32>} : memref<10240xf32, #tpu.memory_space<vmem>>, vector<16xf32>,
      tpu.vector_store %arg5[%parallel_loop3A_66], %parallel_loop3A_63 {strides = array<i32>} : memref<10240xf32, #tpu.memory_space<vmem>>, vector<16xf32>,
      %parallel_loop3A_68 = arith.constant 0.000000e+00 : f32
      %parallel_loop3A_69 = vector.broadcast %parallel_loop3A_68 : f32 to vector<16xf32>
      %parallel_loop3A_70 = arith.constant 144 : i32
      %parallel_loop3A_71 = arith.addi %parallel_loop3A_13, %parallel_loop3A_70 : i32
      %parallel_loop3A_72 = arith.index_cast %parallel_loop3A_71 : i32 to index
      %parallel_loop3A_73 = tpu.vector_load %arg5[%parallel_loop3A_72] {strides = array<i32>} : memref<10240xf32, #tpu.memory_space<vmem>>, vector<16xf32>,
      tpu.vector_store %arg5[%parallel_loop3A_72], %parallel_loop3A_69 {strides = array<i32>} : memref<10240xf32, #tpu.memory_space<vmem>>, vector<16xf32>,
      %parallel_loop3A_74 = arith.constant 0.000000e+00 : f32
      %parallel_loop3A_75 = vector.broadcast %parallel_loop3A_74 : f32 to vector<16xf32>
      %parallel_loop3A_76 = arith.constant 160 : i32
      %parallel_loop3A_77 = arith.addi %parallel_loop3A_13, %parallel_loop3A_76 : i32
      %parallel_loop3A_78 = arith.index_cast %parallel_loop3A_77 : i32 to index
      %parallel_loop3A_79 = tpu.vector_load %arg5[%parallel_loop3A_78] {strides = array<i32>} : memref<10240xf32, #tpu.memory_space<vmem>>, vector<16xf32>,
      tpu.vector_store %arg5[%parallel_loop3A_78], %parallel_loop3A_75 {strides = array<i32>} : memref<10240xf32, #tpu.memory_space<vmem>>, vector<16xf32>,
      %parallel_loop3A_80 = arith.constant 0.000000e+00 : f32
      %parallel_loop3A_81 = vector.broadcast %parallel_loop3A_80 : f32 to vector<16xf32>
      %parallel_loop3A_82 = arith.constant 176 : i32
      %parallel_loop3A_83 = arith.addi %parallel_loop3A_13, %parallel_loop3A_82 : i32
      %parallel_loop3A_84 = arith.index_cast %parallel_loop3A_83 : i32 to index
      %parallel_loop3A_85 = tpu.vector_load %arg5[%parallel_loop3A_84] {strides = array<i32>} : memref<10240xf32, #tpu.memory_space<vmem>>, vector<16xf32>,
      tpu.vector_store %arg5[%parallel_loop3A_84], %parallel_loop3A_81 {strides = array<i32>} : memref<10240xf32, #tpu.memory_space<vmem>>, vector<16xf32>,
      %parallel_loop3A_86 = arith.constant 0.000000e+00 : f32
      %parallel_loop3A_87 = vector.broadcast %parallel_loop3A_86 : f32 to vector<16xf32>
      %parallel_loop3A_88 = arith.constant 192 : i32
      %parallel_loop3A_89 = arith.addi %parallel_loop3A_13, %parallel_loop3A_88 : i32
      %parallel_loop3A_90 = arith.index_cast %parallel_loop3A_89 : i32 to index
      %parallel_loop3A_91 = tpu.vector_load %arg5[%parallel_loop3A_90] {strides = array<i32>} : memref<10240xf32, #tpu.memory_space<vmem>>, vector<16xf32>,
      tpu.vector_store %arg5[%parallel_loop3A_90], %parallel_loop3A_87 {strides = array<i32>} : memref<10240xf32, #tpu.memory_space<vmem>>, vector<16xf32>,
      %parallel_loop3A_92 = arith.constant 0.000000e+00 : f32
      %parallel_loop3A_93 = vector.broadcast %parallel_loop3A_92 : f32 to vector<16xf32>
      %parallel_loop3A_94 = arith.constant 208 : i32
      %parallel_loop3A_95 = arith.addi %parallel_loop3A_13, %parallel_loop3A_94 : i32
      %parallel_loop3A_96 = arith.index_cast %parallel_loop3A_95 : i32 to index
      %parallel_loop3A_97 = tpu.vector_load %arg5[%parallel_loop3A_96] {strides = array<i32>} : memref<10240xf32, #tpu.memory_space<vmem>>, vector<16xf32>,
      tpu.vector_store %arg5[%parallel_loop3A_96], %parallel_loop3A_93 {strides = array<i32>} : memref<10240xf32, #tpu.memory_space<vmem>>, vector<16xf32>,
      %parallel_loop3A_98 = arith.constant 0.000000e+00 : f32
      %parallel_loop3A_99 = vector.broadcast %parallel_loop3A_98 : f32 to vector<16xf32>
      %parallel_loop3A_100 = arith.constant 224 : i32
      %parallel_loop3A_101 = arith.addi %parallel_loop3A_13, %parallel_loop3A_100 : i32
      %parallel_loop3A_102 = arith.index_cast %parallel_loop3A_101 : i32 to index
      %parallel_loop3A_103 = tpu.vector_load %arg5[%parallel_loop3A_102] {strides = array<i32>} : memref<10240xf32, #tpu.memory_space<vmem>>, vector<16xf32>,
      tpu.vector_store %arg5[%parallel_loop3A_102], %parallel_loop3A_99 {strides = array<i32>} : memref<10240xf32, #tpu.memory_space<vmem>>, vector<16xf32>,
      %parallel_loop3A_104 = arith.constant 0.000000e+00 : f32
      %parallel_loop3A_105 = vector.broadcast %parallel_loop3A_104 : f32 to vector<16xf32>
      %parallel_loop3A_106 = arith.constant 240 : i32
      %parallel_loop3A_107 = arith.addi %parallel_loop3A_13, %parallel_loop3A_106 : i32
      %parallel_loop3A_108 = arith.index_cast %parallel_loop3A_107 : i32 to index
      %parallel_loop3A_109 = tpu.vector_load %arg5[%parallel_loop3A_108] {strides = array<i32>} : memref<10240xf32, #tpu.memory_space<vmem>>, vector<16xf32>,
      tpu.vector_store %arg5[%parallel_loop3A_108], %parallel_loop3A_105 {strides = array<i32>} : memref<10240xf32, #tpu.memory_space<vmem>>, vector<16xf32>,
    } {sc.loop_unroll_factor = 4 : i64, sc.parallel_access}
    %dma_wait3A = tpu.memref_slice %arg2[%mul3A_2] : memref<320000xi32, #tpu.memory_space<hbm>> -> memref<10000xi32, #tpu.memory_space<hbm>>
    %dma_wait3A_6 = tpu.memref_slice %arg2[%mul3A_2] : memref<320000xi32, #tpu.memory_space<hbm>> -> memref<10000xi32, #tpu.memory_space<hbm>>
    tpu.wait_dma2 semaphore(%arg6 : memref<!tpu.dma_semaphore, #tpu.memory_space<semaphore_mem>>) src(%dma_wait3A_6 : memref<10000xi32, #tpu.memory_space<hbm>>) dst(%arg4 : memref<10000xi32, #tpu.memory_space<vmem>>)
    %broadcast_in_dim3A = arith.constant 1.000000e+00 : f32
    %broadcast_in_dim3A_7 = vector.broadcast %broadcast_in_dim3A : f32 to vector<16xf32>
    %parallel_loop3A_8 = arith.constant 0 : i32
    %parallel_loop3A_9 = arith.constant 625 : i32
    %parallel_loop3A_10 = arith.constant 1 : i32
    scf.for %parallel_loop3A_11 = %parallel_loop3A_8 to %parallel_loop3A_9 step %parallel_loop3A_10  : i32 {
      %parallel_loop3A_12 = arith.constant 16 : i32
      %parallel_loop3A_13 = arith.muli %parallel_loop3A_11, %parallel_loop3A_12 : i32
      %parallel_loop3A_14 = arith.index_cast %parallel_loop3A_13 : i32 to index
      %parallel_loop3A_15 = tpu.vector_load %arg4[%parallel_loop3A_14] {strides = array<i32>} : memref<10000xi32, #tpu.memory_space<vmem>>, vector<16xi32>,
      tpu.vector_store_idx %arg5[%parallel_loop3A_15], %broadcast_in_dim3A_7 {add = true} : memref<10240xf32, #tpu.memory_space<vmem>>[vector<16xi32>], vector<16xf32>,
    } {sc.loop_unroll_factor = 16 : i64, sc.parallel_access}
    "tpu.region"() ({
      %run_scoped3A = tpu.sem_alloc : memref<!tpu.dma_semaphore, #tpu.memory_space<semaphore_mem>>
      %dma_start3A_11 = arith.constant 0 : i32
      %dma_start3A_12 = tpu.memref_slice %arg3[%add3A, %dma_start3A_11] : memref<32x10240xf32, #tpu.memory_space<hbm>> -> memref<1x10240xf32, #tpu.memory_space<hbm>>
      %dma_start3A_13 = tpu.memref_squeeze %dma_start3A_12 : memref<1x10240xf32, #tpu.memory_space<hbm>> -> memref<10240xf32, #tpu.memory_space<hbm>>
      %dma_start3A_14 = arith.constant 0 : i32
      %dma_start3A_15 = tpu.memref_slice %arg3[%add3A, %dma_start3A_14] : memref<32x10240xf32, #tpu.memory_space<hbm>> -> memref<1x10240xf32, #tpu.memory_space<hbm>>
      %dma_start3A_16 = tpu.memref_squeeze %dma_start3A_15 : memref<1x10240xf32, #tpu.memory_space<hbm>> -> memref<10240xf32, #tpu.memory_space<hbm>>
      tpu.enqueue_dma source(%arg5 : memref<10240xf32, #tpu.memory_space<vmem>>) target(%dma_start3A_16 : memref<10240xf32, #tpu.memory_space<hbm>>) target_semaphore(%run_scoped3A : memref<!tpu.dma_semaphore, #tpu.memory_space<semaphore_mem>>)
      %dma_wait3A_17 = arith.constant 0 : i32
      %dma_wait3A_18 = tpu.memref_slice %arg3[%add3A, %dma_wait3A_17] : memref<32x10240xf32, #tpu.memory_space<hbm>> -> memref<1x10240xf32, #tpu.memory_space<hbm>>
      %dma_wait3A_19 = tpu.memref_squeeze %dma_wait3A_18 : memref<1x10240xf32, #tpu.memory_space<hbm>> -> memref<10240xf32, #tpu.memory_space<hbm>>
      %dma_wait3A_20 = arith.constant 0 : i32
      %dma_wait3A_21 = tpu.memref_slice %arg3[%add3A, %dma_wait3A_20] : memref<32x10240xf32, #tpu.memory_space<hbm>> -> memref<1x10240xf32, #tpu.memory_space<hbm>>
      %dma_wait3A_22 = tpu.memref_squeeze %dma_wait3A_21 : memref<1x10240xf32, #tpu.memory_space<hbm>> -> memref<10240xf32, #tpu.memory_space<hbm>>
      tpu.wait_dma2 semaphore(%run_scoped3A : memref<!tpu.dma_semaphore, #tpu.memory_space<semaphore_mem>>) src(%arg5 : memref<10240xf32, #tpu.memory_space<vmem>>) dst(%dma_wait3A_22 : memref<10240xf32, #tpu.memory_space<hbm>>)
      tpu.yield
    }) : () -> ()
    return
  }
}

#map = affine_map<(d0, d1) -> (0)>
#map1 = affine_map<(d0, d1) -> (0, 0)>
module attributes {stable_mosaic.version = 14 : i64} {
  func.func @_msg_body(%arg0: i32, %arg1: i32, %arg2: memref<320000xi32, #tpu.memory_space<hbm>>, %arg3: memref<320000xi32, #tpu.memory_space<hbm>>, %arg4: memref<8x10240xf32, #tpu.memory_space<hbm>>, %arg5: memref<96x10240xf32, #tpu.memory_space<hbm>>, %arg6: memref<10000xi32, #tpu.memory_space<vmem>>, %arg7: memref<10000xi32, #tpu.memory_space<vmem>>, %arg8: memref<10240xf32, #tpu.memory_space<vmem>>, %arg9: memref<10240xf32, #tpu.memory_space<vmem>>, %arg10: memref<10240xf32, #tpu.memory_space<vmem>>, %arg11: memref<10240xf32, #tpu.memory_space<vmem>>, %arg12: memref<10240xf32, #tpu.memory_space<vmem>>, %arg13: memref<10240xf32, #tpu.memory_space<vmem>>, %arg14: memref<!tpu.dma_semaphore, #tpu.memory_space<semaphore_mem>>) attributes {dimension_semantics = [#tpu.dimension_semantics<core_parallel>, #tpu.dimension_semantics<subcore_parallel>], iteration_bounds = array<i64: 2, 16>, scalar_prefetch = 0 : i64, scratch_operands = 9 : i64, tpu.core_type = #tpu.core_type<sc_vector_subcore>, window_params = [{transform_indices = #map}, {transform_indices = #map}, {transform_indices = #map1}, {transform_indices = #map1}]} {
    %mul3A = arith.constant 2 : i32
    %mul3A_0 = arith.muli %arg1, %mul3A : i32
    %add3A = arith.addi %mul3A_0, %arg0 : i32
    %mul3A_1 = arith.constant 10000 : i32
    %mul3A_2 = arith.muli %add3A, %mul3A_1 : i32
    %dma_start3A = tpu.memref_slice %arg2[%mul3A_2] : memref<320000xi32, #tpu.memory_space<hbm>> -> memref<10000xi32, #tpu.memory_space<hbm>>
    %dma_start3A_3 = tpu.memref_slice %arg2[%mul3A_2] : memref<320000xi32, #tpu.memory_space<hbm>> -> memref<10000xi32, #tpu.memory_space<hbm>>
    tpu.enqueue_dma source(%dma_start3A_3 : memref<10000xi32, #tpu.memory_space<hbm>>) target(%arg6 : memref<10000xi32, #tpu.memory_space<vmem>>) target_semaphore(%arg14 : memref<!tpu.dma_semaphore, #tpu.memory_space<semaphore_mem>>)
    %mul3A_4 = arith.constant 10000 : i32
    %mul3A_5 = arith.muli %add3A, %mul3A_4 : i32
    %dma_start3A_6 = tpu.memref_slice %arg3[%mul3A_5] : memref<320000xi32, #tpu.memory_space<hbm>> -> memref<10000xi32, #tpu.memory_space<hbm>>
    %dma_start3A_7 = tpu.memref_slice %arg3[%mul3A_5] : memref<320000xi32, #tpu.memory_space<hbm>> -> memref<10000xi32, #tpu.memory_space<hbm>>
    tpu.enqueue_dma source(%dma_start3A_7 : memref<10000xi32, #tpu.memory_space<hbm>>) target(%arg7 : memref<10000xi32, #tpu.memory_space<vmem>>) target_semaphore(%arg14 : memref<!tpu.dma_semaphore, #tpu.memory_space<semaphore_mem>>)
    %dma_start3A_8 = arith.constant 0 : i32
    %dma_start3A_9 = arith.constant 0 : i32
    %dma_start3A_10 = tpu.memref_slice %arg4[%dma_start3A_8, %dma_start3A_9] : memref<8x10240xf32, #tpu.memory_space<hbm>> -> memref<1x10240xf32, #tpu.memory_space<hbm>>
    %dma_start3A_11 = tpu.memref_squeeze %dma_start3A_10 : memref<1x10240xf32, #tpu.memory_space<hbm>> -> memref<10240xf32, #tpu.memory_space<hbm>>
    %dma_start3A_12 = arith.constant 0 : i32
    %dma_start3A_13 = tpu.memref_slice %arg4[%dma_start3A_8, %dma_start3A_12] : memref<8x10240xf32, #tpu.memory_space<hbm>> -> memref<1x10240xf32, #tpu.memory_space<hbm>>
    %dma_start3A_14 = tpu.memref_squeeze %dma_start3A_13 : memref<1x10240xf32, #tpu.memory_space<hbm>> -> memref<10240xf32, #tpu.memory_space<hbm>>
    tpu.enqueue_dma source(%dma_start3A_14 : memref<10240xf32, #tpu.memory_space<hbm>>) target(%arg8 : memref<10240xf32, #tpu.memory_space<vmem>>) target_semaphore(%arg14 : memref<!tpu.dma_semaphore, #tpu.memory_space<semaphore_mem>>)
    %dma_start3A_15 = arith.constant 1 : i32
    %dma_start3A_16 = arith.constant 0 : i32
    %dma_start3A_17 = tpu.memref_slice %arg4[%dma_start3A_15, %dma_start3A_16] : memref<8x10240xf32, #tpu.memory_space<hbm>> -> memref<1x10240xf32, #tpu.memory_space<hbm>>
    %dma_start3A_18 = tpu.memref_squeeze %dma_start3A_17 : memref<1x10240xf32, #tpu.memory_space<hbm>> -> memref<10240xf32, #tpu.memory_space<hbm>>
    %dma_start3A_19 = arith.constant 0 : i32
    %dma_start3A_20 = tpu.memref_slice %arg4[%dma_start3A_15, %dma_start3A_19] : memref<8x10240xf32, #tpu.memory_space<hbm>> -> memref<1x10240xf32, #tpu.memory_space<hbm>>
    %dma_start3A_21 = tpu.memref_squeeze %dma_start3A_20 : memref<1x10240xf32, #tpu.memory_space<hbm>> -> memref<10240xf32, #tpu.memory_space<hbm>>
    tpu.enqueue_dma source(%dma_start3A_21 : memref<10240xf32, #tpu.memory_space<hbm>>) target(%arg9 : memref<10240xf32, #tpu.memory_space<vmem>>) target_semaphore(%arg14 : memref<!tpu.dma_semaphore, #tpu.memory_space<semaphore_mem>>)
    %dma_start3A_22 = arith.constant 2 : i32
    %dma_start3A_23 = arith.constant 0 : i32
    %dma_start3A_24 = tpu.memref_slice %arg4[%dma_start3A_22, %dma_start3A_23] : memref<8x10240xf32, #tpu.memory_space<hbm>> -> memref<1x10240xf32, #tpu.memory_space<hbm>>
    %dma_start3A_25 = tpu.memref_squeeze %dma_start3A_24 : memref<1x10240xf32, #tpu.memory_space<hbm>> -> memref<10240xf32, #tpu.memory_space<hbm>>
    %dma_start3A_26 = arith.constant 0 : i32
    %dma_start3A_27 = tpu.memref_slice %arg4[%dma_start3A_22, %dma_start3A_26] : memref<8x10240xf32, #tpu.memory_space<hbm>> -> memref<1x10240xf32, #tpu.memory_space<hbm>>
    %dma_start3A_28 = tpu.memref_squeeze %dma_start3A_27 : memref<1x10240xf32, #tpu.memory_space<hbm>> -> memref<10240xf32, #tpu.memory_space<hbm>>
    tpu.enqueue_dma source(%dma_start3A_28 : memref<10240xf32, #tpu.memory_space<hbm>>) target(%arg10 : memref<10240xf32, #tpu.memory_space<vmem>>) target_semaphore(%arg14 : memref<!tpu.dma_semaphore, #tpu.memory_space<semaphore_mem>>)
    %parallel_loop3A = arith.constant 0 : i32
    %parallel_loop3A_29 = arith.constant 80 : i32
    %parallel_loop3A_30 = arith.constant 1 : i32
    scf.for %parallel_loop3A_62 = %parallel_loop3A to %parallel_loop3A_29 step %parallel_loop3A_30  : i32 {
      %parallel_loop3A_63 = arith.constant 128 : i32
      %parallel_loop3A_64 = arith.muli %parallel_loop3A_62, %parallel_loop3A_63 : i32
      %parallel_loop3A_65 = arith.constant 0.000000e+00 : f32
      %parallel_loop3A_66 = vector.broadcast %parallel_loop3A_65 : f32 to vector<16xf32>
      %parallel_loop3A_67 = arith.constant 0 : i32
      %parallel_loop3A_68 = arith.addi %parallel_loop3A_64, %parallel_loop3A_67 : i32
      %parallel_loop3A_69 = arith.index_cast %parallel_loop3A_68 : i32 to index
      %parallel_loop3A_70 = tpu.vector_load %arg11[%parallel_loop3A_69] {strides = array<i32>} : memref<10240xf32, #tpu.memory_space<vmem>>, vector<16xf32>,
      tpu.vector_store %arg11[%parallel_loop3A_69], %parallel_loop3A_66 {strides = array<i32>} : memref<10240xf32, #tpu.memory_space<vmem>>, vector<16xf32>,
      %parallel_loop3A_71 = arith.constant 0 : i32
      %parallel_loop3A_72 = arith.addi %parallel_loop3A_64, %parallel_loop3A_71 : i32
      %parallel_loop3A_73 = arith.index_cast %parallel_loop3A_72 : i32 to index
      %parallel_loop3A_74 = tpu.vector_load %arg12[%parallel_loop3A_73] {strides = array<i32>} : memref<10240xf32, #tpu.memory_space<vmem>>, vector<16xf32>,
      tpu.vector_store %arg12[%parallel_loop3A_73], %parallel_loop3A_66 {strides = array<i32>} : memref<10240xf32, #tpu.memory_space<vmem>>, vector<16xf32>,
      %parallel_loop3A_75 = arith.constant 0 : i32
      %parallel_loop3A_76 = arith.addi %parallel_loop3A_64, %parallel_loop3A_75 : i32
      %parallel_loop3A_77 = arith.index_cast %parallel_loop3A_76 : i32 to index
      %parallel_loop3A_78 = tpu.vector_load %arg13[%parallel_loop3A_77] {strides = array<i32>} : memref<10240xf32, #tpu.memory_space<vmem>>, vector<16xf32>,
      tpu.vector_store %arg13[%parallel_loop3A_77], %parallel_loop3A_66 {strides = array<i32>} : memref<10240xf32, #tpu.memory_space<vmem>>, vector<16xf32>,
      %parallel_loop3A_79 = arith.constant 0.000000e+00 : f32
      %parallel_loop3A_80 = vector.broadcast %parallel_loop3A_79 : f32 to vector<16xf32>
      %parallel_loop3A_81 = arith.constant 16 : i32
      %parallel_loop3A_82 = arith.addi %parallel_loop3A_64, %parallel_loop3A_81 : i32
      %parallel_loop3A_83 = arith.index_cast %parallel_loop3A_82 : i32 to index
      %parallel_loop3A_84 = tpu.vector_load %arg11[%parallel_loop3A_83] {strides = array<i32>} : memref<10240xf32, #tpu.memory_space<vmem>>, vector<16xf32>,
      tpu.vector_store %arg11[%parallel_loop3A_83], %parallel_loop3A_80 {strides = array<i32>} : memref<10240xf32, #tpu.memory_space<vmem>>, vector<16xf32>,
      %parallel_loop3A_85 = arith.constant 16 : i32
      %parallel_loop3A_86 = arith.addi %parallel_loop3A_64, %parallel_loop3A_85 : i32
      %parallel_loop3A_87 = arith.index_cast %parallel_loop3A_86 : i32 to index
      %parallel_loop3A_88 = tpu.vector_load %arg12[%parallel_loop3A_87] {strides = array<i32>} : memref<10240xf32, #tpu.memory_space<vmem>>, vector<16xf32>,
      tpu.vector_store %arg12[%parallel_loop3A_87], %parallel_loop3A_80 {strides = array<i32>} : memref<10240xf32, #tpu.memory_space<vmem>>, vector<16xf32>,
      %parallel_loop3A_89 = arith.constant 16 : i32
      %parallel_loop3A_90 = arith.addi %parallel_loop3A_64, %parallel_loop3A_89 : i32
      %parallel_loop3A_91 = arith.index_cast %parallel_loop3A_90 : i32 to index
      %parallel_loop3A_92 = tpu.vector_load %arg13[%parallel_loop3A_91] {strides = array<i32>} : memref<10240xf32, #tpu.memory_space<vmem>>, vector<16xf32>,
      tpu.vector_store %arg13[%parallel_loop3A_91], %parallel_loop3A_80 {strides = array<i32>} : memref<10240xf32, #tpu.memory_space<vmem>>, vector<16xf32>,
      %parallel_loop3A_93 = arith.constant 0.000000e+00 : f32
      %parallel_loop3A_94 = vector.broadcast %parallel_loop3A_93 : f32 to vector<16xf32>
      %parallel_loop3A_95 = arith.constant 32 : i32
      %parallel_loop3A_96 = arith.addi %parallel_loop3A_64, %parallel_loop3A_95 : i32
      %parallel_loop3A_97 = arith.index_cast %parallel_loop3A_96 : i32 to index
      %parallel_loop3A_98 = tpu.vector_load %arg11[%parallel_loop3A_97] {strides = array<i32>} : memref<10240xf32, #tpu.memory_space<vmem>>, vector<16xf32>,
      tpu.vector_store %arg11[%parallel_loop3A_97], %parallel_loop3A_94 {strides = array<i32>} : memref<10240xf32, #tpu.memory_space<vmem>>, vector<16xf32>,
      %parallel_loop3A_99 = arith.constant 32 : i32
      %parallel_loop3A_100 = arith.addi %parallel_loop3A_64, %parallel_loop3A_99 : i32
      %parallel_loop3A_101 = arith.index_cast %parallel_loop3A_100 : i32 to index
      %parallel_loop3A_102 = tpu.vector_load %arg12[%parallel_loop3A_101] {strides = array<i32>} : memref<10240xf32, #tpu.memory_space<vmem>>, vector<16xf32>,
      tpu.vector_store %arg12[%parallel_loop3A_101], %parallel_loop3A_94 {strides = array<i32>} : memref<10240xf32, #tpu.memory_space<vmem>>, vector<16xf32>,
      %parallel_loop3A_103 = arith.constant 32 : i32
      %parallel_loop3A_104 = arith.addi %parallel_loop3A_64, %parallel_loop3A_103 : i32
      %parallel_loop3A_105 = arith.index_cast %parallel_loop3A_104 : i32 to index
      %parallel_loop3A_106 = tpu.vector_load %arg13[%parallel_loop3A_105] {strides = array<i32>} : memref<10240xf32, #tpu.memory_space<vmem>>, vector<16xf32>,
      tpu.vector_store %arg13[%parallel_loop3A_105], %parallel_loop3A_94 {strides = array<i32>} : memref<10240xf32, #tpu.memory_space<vmem>>, vector<16xf32>,
      %parallel_loop3A_107 = arith.constant 0.000000e+00 : f32
      %parallel_loop3A_108 = vector.broadcast %parallel_loop3A_107 : f32 to vector<16xf32>
      %parallel_loop3A_109 = arith.constant 48 : i32
      %parallel_loop3A_110 = arith.addi %parallel_loop3A_64, %parallel_loop3A_109 : i32
      %parallel_loop3A_111 = arith.index_cast %parallel_loop3A_110 : i32 to index
      %parallel_loop3A_112 = tpu.vector_load %arg11[%parallel_loop3A_111] {strides = array<i32>} : memref<10240xf32, #tpu.memory_space<vmem>>, vector<16xf32>,
      tpu.vector_store %arg11[%parallel_loop3A_111], %parallel_loop3A_108 {strides = array<i32>} : memref<10240xf32, #tpu.memory_space<vmem>>, vector<16xf32>,
      %parallel_loop3A_113 = arith.constant 48 : i32
      %parallel_loop3A_114 = arith.addi %parallel_loop3A_64, %parallel_loop3A_113 : i32
      %parallel_loop3A_115 = arith.index_cast %parallel_loop3A_114 : i32 to index
      %parallel_loop3A_116 = tpu.vector_load %arg12[%parallel_loop3A_115] {strides = array<i32>} : memref<10240xf32, #tpu.memory_space<vmem>>, vector<16xf32>,
      tpu.vector_store %arg12[%parallel_loop3A_115], %parallel_loop3A_108 {strides = array<i32>} : memref<10240xf32, #tpu.memory_space<vmem>>, vector<16xf32>,
      %parallel_loop3A_117 = arith.constant 48 : i32
      %parallel_loop3A_118 = arith.addi %parallel_loop3A_64, %parallel_loop3A_117 : i32
      %parallel_loop3A_119 = arith.index_cast %parallel_loop3A_118 : i32 to index
      %parallel_loop3A_120 = tpu.vector_load %arg13[%parallel_loop3A_119] {strides = array<i32>} : memref<10240xf32, #tpu.memory_space<vmem>>, vector<16xf32>,
      tpu.vector_store %arg13[%parallel_loop3A_119], %parallel_loop3A_108 {strides = array<i32>} : memref<10240xf32, #tpu.memory_space<vmem>>, vector<16xf32>,
      %parallel_loop3A_121 = arith.constant 0.000000e+00 : f32
      %parallel_loop3A_122 = vector.broadcast %parallel_loop3A_121 : f32 to vector<16xf32>
      %parallel_loop3A_123 = arith.constant 64 : i32
      %parallel_loop3A_124 = arith.addi %parallel_loop3A_64, %parallel_loop3A_123 : i32
      %parallel_loop3A_125 = arith.index_cast %parallel_loop3A_124 : i32 to index
      %parallel_loop3A_126 = tpu.vector_load %arg11[%parallel_loop3A_125] {strides = array<i32>} : memref<10240xf32, #tpu.memory_space<vmem>>, vector<16xf32>,
      tpu.vector_store %arg11[%parallel_loop3A_125], %parallel_loop3A_122 {strides = array<i32>} : memref<10240xf32, #tpu.memory_space<vmem>>, vector<16xf32>,
      %parallel_loop3A_127 = arith.constant 64 : i32
      %parallel_loop3A_128 = arith.addi %parallel_loop3A_64, %parallel_loop3A_127 : i32
      %parallel_loop3A_129 = arith.index_cast %parallel_loop3A_128 : i32 to index
      %parallel_loop3A_130 = tpu.vector_load %arg12[%parallel_loop3A_129] {strides = array<i32>} : memref<10240xf32, #tpu.memory_space<vmem>>, vector<16xf32>,
      tpu.vector_store %arg12[%parallel_loop3A_129], %parallel_loop3A_122 {strides = array<i32>} : memref<10240xf32, #tpu.memory_space<vmem>>, vector<16xf32>,
      %parallel_loop3A_131 = arith.constant 64 : i32
      %parallel_loop3A_132 = arith.addi %parallel_loop3A_64, %parallel_loop3A_131 : i32
      %parallel_loop3A_133 = arith.index_cast %parallel_loop3A_132 : i32 to index
      %parallel_loop3A_134 = tpu.vector_load %arg13[%parallel_loop3A_133] {strides = array<i32>} : memref<10240xf32, #tpu.memory_space<vmem>>, vector<16xf32>,
      tpu.vector_store %arg13[%parallel_loop3A_133], %parallel_loop3A_122 {strides = array<i32>} : memref<10240xf32, #tpu.memory_space<vmem>>, vector<16xf32>,
      %parallel_loop3A_135 = arith.constant 0.000000e+00 : f32
      %parallel_loop3A_136 = vector.broadcast %parallel_loop3A_135 : f32 to vector<16xf32>
      %parallel_loop3A_137 = arith.constant 80 : i32
      %parallel_loop3A_138 = arith.addi %parallel_loop3A_64, %parallel_loop3A_137 : i32
      %parallel_loop3A_139 = arith.index_cast %parallel_loop3A_138 : i32 to index
      %parallel_loop3A_140 = tpu.vector_load %arg11[%parallel_loop3A_139] {strides = array<i32>} : memref<10240xf32, #tpu.memory_space<vmem>>, vector<16xf32>,
      tpu.vector_store %arg11[%parallel_loop3A_139], %parallel_loop3A_136 {strides = array<i32>} : memref<10240xf32, #tpu.memory_space<vmem>>, vector<16xf32>,
      %parallel_loop3A_141 = arith.constant 80 : i32
      %parallel_loop3A_142 = arith.addi %parallel_loop3A_64, %parallel_loop3A_141 : i32
      %parallel_loop3A_143 = arith.index_cast %parallel_loop3A_142 : i32 to index
      %parallel_loop3A_144 = tpu.vector_load %arg12[%parallel_loop3A_143] {strides = array<i32>} : memref<10240xf32, #tpu.memory_space<vmem>>, vector<16xf32>,
      tpu.vector_store %arg12[%parallel_loop3A_143], %parallel_loop3A_136 {strides = array<i32>} : memref<10240xf32, #tpu.memory_space<vmem>>, vector<16xf32>,
      %parallel_loop3A_145 = arith.constant 80 : i32
      %parallel_loop3A_146 = arith.addi %parallel_loop3A_64, %parallel_loop3A_145 : i32
      %parallel_loop3A_147 = arith.index_cast %parallel_loop3A_146 : i32 to index
      %parallel_loop3A_148 = tpu.vector_load %arg13[%parallel_loop3A_147] {strides = array<i32>} : memref<10240xf32, #tpu.memory_space<vmem>>, vector<16xf32>,
      tpu.vector_store %arg13[%parallel_loop3A_147], %parallel_loop3A_136 {strides = array<i32>} : memref<10240xf32, #tpu.memory_space<vmem>>, vector<16xf32>,
      %parallel_loop3A_149 = arith.constant 0.000000e+00 : f32
      %parallel_loop3A_150 = vector.broadcast %parallel_loop3A_149 : f32 to vector<16xf32>
      %parallel_loop3A_151 = arith.constant 96 : i32
      %parallel_loop3A_152 = arith.addi %parallel_loop3A_64, %parallel_loop3A_151 : i32
      %parallel_loop3A_153 = arith.index_cast %parallel_loop3A_152 : i32 to index
      %parallel_loop3A_154 = tpu.vector_load %arg11[%parallel_loop3A_153] {strides = array<i32>} : memref<10240xf32, #tpu.memory_space<vmem>>, vector<16xf32>,
      tpu.vector_store %arg11[%parallel_loop3A_153], %parallel_loop3A_150 {strides = array<i32>} : memref<10240xf32, #tpu.memory_space<vmem>>, vector<16xf32>,
      %parallel_loop3A_155 = arith.constant 96 : i32
      %parallel_loop3A_156 = arith.addi %parallel_loop3A_64, %parallel_loop3A_155 : i32
      %parallel_loop3A_157 = arith.index_cast %parallel_loop3A_156 : i32 to index
      %parallel_loop3A_158 = tpu.vector_load %arg12[%parallel_loop3A_157] {strides = array<i32>} : memref<10240xf32, #tpu.memory_space<vmem>>, vector<16xf32>,
      tpu.vector_store %arg12[%parallel_loop3A_157], %parallel_loop3A_150 {strides = array<i32>} : memref<10240xf32, #tpu.memory_space<vmem>>, vector<16xf32>,
      %parallel_loop3A_159 = arith.constant 96 : i32
      %parallel_loop3A_160 = arith.addi %parallel_loop3A_64, %parallel_loop3A_159 : i32
      %parallel_loop3A_161 = arith.index_cast %parallel_loop3A_160 : i32 to index
      %parallel_loop3A_162 = tpu.vector_load %arg13[%parallel_loop3A_161] {strides = array<i32>} : memref<10240xf32, #tpu.memory_space<vmem>>, vector<16xf32>,
      tpu.vector_store %arg13[%parallel_loop3A_161], %parallel_loop3A_150 {strides = array<i32>} : memref<10240xf32, #tpu.memory_space<vmem>>, vector<16xf32>,
      %parallel_loop3A_163 = arith.constant 0.000000e+00 : f32
      %parallel_loop3A_164 = vector.broadcast %parallel_loop3A_163 : f32 to vector<16xf32>
      %parallel_loop3A_165 = arith.constant 112 : i32
      %parallel_loop3A_166 = arith.addi %parallel_loop3A_64, %parallel_loop3A_165 : i32
      %parallel_loop3A_167 = arith.index_cast %parallel_loop3A_166 : i32 to index
      %parallel_loop3A_168 = tpu.vector_load %arg11[%parallel_loop3A_167] {strides = array<i32>} : memref<10240xf32, #tpu.memory_space<vmem>>, vector<16xf32>,
      tpu.vector_store %arg11[%parallel_loop3A_167], %parallel_loop3A_164 {strides = array<i32>} : memref<10240xf32, #tpu.memory_space<vmem>>, vector<16xf32>,
      %parallel_loop3A_169 = arith.constant 112 : i32
      %parallel_loop3A_170 = arith.addi %parallel_loop3A_64, %parallel_loop3A_169 : i32
      %parallel_loop3A_171 = arith.index_cast %parallel_loop3A_170 : i32 to index
      %parallel_loop3A_172 = tpu.vector_load %arg12[%parallel_loop3A_171] {strides = array<i32>} : memref<10240xf32, #tpu.memory_space<vmem>>, vector<16xf32>,
      tpu.vector_store %arg12[%parallel_loop3A_171], %parallel_loop3A_164 {strides = array<i32>} : memref<10240xf32, #tpu.memory_space<vmem>>, vector<16xf32>,
      %parallel_loop3A_173 = arith.constant 112 : i32
      %parallel_loop3A_174 = arith.addi %parallel_loop3A_64, %parallel_loop3A_173 : i32
      %parallel_loop3A_175 = arith.index_cast %parallel_loop3A_174 : i32 to index
      %parallel_loop3A_176 = tpu.vector_load %arg13[%parallel_loop3A_175] {strides = array<i32>} : memref<10240xf32, #tpu.memory_space<vmem>>, vector<16xf32>,
      tpu.vector_store %arg13[%parallel_loop3A_175], %parallel_loop3A_164 {strides = array<i32>} : memref<10240xf32, #tpu.memory_space<vmem>>, vector<16xf32>,
    } {sc.loop_unroll_factor = 4 : i64, sc.parallel_access}
    %dma_wait3A = tpu.memref_slice %arg2[%mul3A_2] : memref<320000xi32, #tpu.memory_space<hbm>> -> memref<10000xi32, #tpu.memory_space<hbm>>
    %dma_wait3A_31 = tpu.memref_slice %arg2[%mul3A_2] : memref<320000xi32, #tpu.memory_space<hbm>> -> memref<10000xi32, #tpu.memory_space<hbm>>
    tpu.wait_dma2 semaphore(%arg14 : memref<!tpu.dma_semaphore, #tpu.memory_space<semaphore_mem>>) src(%dma_wait3A_31 : memref<10000xi32, #tpu.memory_space<hbm>>) dst(%arg6 : memref<10000xi32, #tpu.memory_space<vmem>>)
    %dma_wait3A_32 = tpu.memref_slice %arg3[%mul3A_5] : memref<320000xi32, #tpu.memory_space<hbm>> -> memref<10000xi32, #tpu.memory_space<hbm>>
    %dma_wait3A_33 = tpu.memref_slice %arg3[%mul3A_5] : memref<320000xi32, #tpu.memory_space<hbm>> -> memref<10000xi32, #tpu.memory_space<hbm>>
    tpu.wait_dma2 semaphore(%arg14 : memref<!tpu.dma_semaphore, #tpu.memory_space<semaphore_mem>>) src(%dma_wait3A_33 : memref<10000xi32, #tpu.memory_space<hbm>>) dst(%arg7 : memref<10000xi32, #tpu.memory_space<vmem>>)
    %dma_wait3A_34 = arith.constant 0 : i32
    %dma_wait3A_35 = arith.constant 0 : i32
    %dma_wait3A_36 = tpu.memref_slice %arg4[%dma_wait3A_34, %dma_wait3A_35] : memref<8x10240xf32, #tpu.memory_space<hbm>> -> memref<1x10240xf32, #tpu.memory_space<hbm>>
    %dma_wait3A_37 = tpu.memref_squeeze %dma_wait3A_36 : memref<1x10240xf32, #tpu.memory_space<hbm>> -> memref<10240xf32, #tpu.memory_space<hbm>>
    %dma_wait3A_38 = arith.constant 0 : i32
    %dma_wait3A_39 = tpu.memref_slice %arg4[%dma_wait3A_34, %dma_wait3A_38] : memref<8x10240xf32, #tpu.memory_space<hbm>> -> memref<1x10240xf32, #tpu.memory_space<hbm>>
    %dma_wait3A_40 = tpu.memref_squeeze %dma_wait3A_39 : memref<1x10240xf32, #tpu.memory_space<hbm>> -> memref<10240xf32, #tpu.memory_space<hbm>>
    tpu.wait_dma2 semaphore(%arg14 : memref<!tpu.dma_semaphore, #tpu.memory_space<semaphore_mem>>) src(%dma_wait3A_40 : memref<10240xf32, #tpu.memory_space<hbm>>) dst(%arg8 : memref<10240xf32, #tpu.memory_space<vmem>>)
    %dma_wait3A_41 = arith.constant 1 : i32
    %dma_wait3A_42 = arith.constant 0 : i32
    %dma_wait3A_43 = tpu.memref_slice %arg4[%dma_wait3A_41, %dma_wait3A_42] : memref<8x10240xf32, #tpu.memory_space<hbm>> -> memref<1x10240xf32, #tpu.memory_space<hbm>>
    %dma_wait3A_44 = tpu.memref_squeeze %dma_wait3A_43 : memref<1x10240xf32, #tpu.memory_space<hbm>> -> memref<10240xf32, #tpu.memory_space<hbm>>
    %dma_wait3A_45 = arith.constant 0 : i32
    %dma_wait3A_46 = tpu.memref_slice %arg4[%dma_wait3A_41, %dma_wait3A_45] : memref<8x10240xf32, #tpu.memory_space<hbm>> -> memref<1x10240xf32, #tpu.memory_space<hbm>>
    %dma_wait3A_47 = tpu.memref_squeeze %dma_wait3A_46 : memref<1x10240xf32, #tpu.memory_space<hbm>> -> memref<10240xf32, #tpu.memory_space<hbm>>
    tpu.wait_dma2 semaphore(%arg14 : memref<!tpu.dma_semaphore, #tpu.memory_space<semaphore_mem>>) src(%dma_wait3A_47 : memref<10240xf32, #tpu.memory_space<hbm>>) dst(%arg9 : memref<10240xf32, #tpu.memory_space<vmem>>)
    %dma_wait3A_48 = arith.constant 2 : i32
    %dma_wait3A_49 = arith.constant 0 : i32
    %dma_wait3A_50 = tpu.memref_slice %arg4[%dma_wait3A_48, %dma_wait3A_49] : memref<8x10240xf32, #tpu.memory_space<hbm>> -> memref<1x10240xf32, #tpu.memory_space<hbm>>
    %dma_wait3A_51 = tpu.memref_squeeze %dma_wait3A_50 : memref<1x10240xf32, #tpu.memory_space<hbm>> -> memref<10240xf32, #tpu.memory_space<hbm>>
    %dma_wait3A_52 = arith.constant 0 : i32
    %dma_wait3A_53 = tpu.memref_slice %arg4[%dma_wait3A_48, %dma_wait3A_52] : memref<8x10240xf32, #tpu.memory_space<hbm>> -> memref<1x10240xf32, #tpu.memory_space<hbm>>
    %dma_wait3A_54 = tpu.memref_squeeze %dma_wait3A_53 : memref<1x10240xf32, #tpu.memory_space<hbm>> -> memref<10240xf32, #tpu.memory_space<hbm>>
    tpu.wait_dma2 semaphore(%arg14 : memref<!tpu.dma_semaphore, #tpu.memory_space<semaphore_mem>>) src(%dma_wait3A_54 : memref<10240xf32, #tpu.memory_space<hbm>>) dst(%arg10 : memref<10240xf32, #tpu.memory_space<vmem>>)
    %parallel_loop3A_55 = arith.constant 0 : i32
    %parallel_loop3A_56 = arith.constant 625 : i32
    %parallel_loop3A_57 = arith.constant 1 : i32
    scf.for %parallel_loop3A_62 = %parallel_loop3A_55 to %parallel_loop3A_56 step %parallel_loop3A_57  : i32 {
      %parallel_loop3A_63 = arith.constant 16 : i32
      %parallel_loop3A_64 = arith.muli %parallel_loop3A_62, %parallel_loop3A_63 : i32
      %parallel_loop3A_65 = arith.index_cast %parallel_loop3A_64 : i32 to index
      %parallel_loop3A_66 = tpu.vector_load %arg6[%parallel_loop3A_65] {strides = array<i32>} : memref<10000xi32, #tpu.memory_space<vmem>>, vector<16xi32>,
      %parallel_loop3A_67 = arith.constant 16 : i32
      %parallel_loop3A_68 = arith.muli %parallel_loop3A_62, %parallel_loop3A_67 : i32
      %parallel_loop3A_69 = arith.index_cast %parallel_loop3A_68 : i32 to index
      %parallel_loop3A_70 = tpu.vector_load %arg7[%parallel_loop3A_69] {strides = array<i32>} : memref<10000xi32, #tpu.memory_space<vmem>>, vector<16xi32>,
      %parallel_loop3A_71 = tpu.vector_load_idx %arg8[%parallel_loop3A_66] : memref<10240xf32, #tpu.memory_space<vmem>>[vector<16xi32>], vector<16xf32>,
      %parallel_loop3A_72 = tpu.vector_load_idx %arg9[%parallel_loop3A_66] : memref<10240xf32, #tpu.memory_space<vmem>>[vector<16xi32>], vector<16xf32>,
      %parallel_loop3A_73 = tpu.vector_load_idx %arg10[%parallel_loop3A_66] : memref<10240xf32, #tpu.memory_space<vmem>>[vector<16xi32>], vector<16xf32>,
      tpu.vector_store_idx %arg11[%parallel_loop3A_70], %parallel_loop3A_71 {add = true} : memref<10240xf32, #tpu.memory_space<vmem>>[vector<16xi32>], vector<16xf32>,
      tpu.vector_store_idx %arg12[%parallel_loop3A_70], %parallel_loop3A_72 {add = true} : memref<10240xf32, #tpu.memory_space<vmem>>[vector<16xi32>], vector<16xf32>,
      tpu.vector_store_idx %arg13[%parallel_loop3A_70], %parallel_loop3A_73 {add = true} : memref<10240xf32, #tpu.memory_space<vmem>>[vector<16xi32>], vector<16xf32>,
    } {sc.loop_unroll_factor = 16 : i64, sc.parallel_access}
    "tpu.region"() ({
      %run_scoped3A = tpu.sem_alloc : memref<!tpu.dma_semaphore, #tpu.memory_space<semaphore_mem>>
      %dma_start3A_62 = arith.constant 0 : i32
      %dma_start3A_63 = tpu.memref_slice %arg5[%add3A, %dma_start3A_62] : memref<96x10240xf32, #tpu.memory_space<hbm>> -> memref<1x10240xf32, #tpu.memory_space<hbm>>
      %dma_start3A_64 = tpu.memref_squeeze %dma_start3A_63 : memref<1x10240xf32, #tpu.memory_space<hbm>> -> memref<10240xf32, #tpu.memory_space<hbm>>
      %dma_start3A_65 = arith.constant 0 : i32
      %dma_start3A_66 = tpu.memref_slice %arg5[%add3A, %dma_start3A_65] : memref<96x10240xf32, #tpu.memory_space<hbm>> -> memref<1x10240xf32, #tpu.memory_space<hbm>>
      %dma_start3A_67 = tpu.memref_squeeze %dma_start3A_66 : memref<1x10240xf32, #tpu.memory_space<hbm>> -> memref<10240xf32, #tpu.memory_space<hbm>>
      tpu.enqueue_dma source(%arg11 : memref<10240xf32, #tpu.memory_space<vmem>>) target(%dma_start3A_67 : memref<10240xf32, #tpu.memory_space<hbm>>) target_semaphore(%run_scoped3A : memref<!tpu.dma_semaphore, #tpu.memory_space<semaphore_mem>>)
      %dma_wait3A_68 = arith.constant 0 : i32
      %dma_wait3A_69 = tpu.memref_slice %arg5[%add3A, %dma_wait3A_68] : memref<96x10240xf32, #tpu.memory_space<hbm>> -> memref<1x10240xf32, #tpu.memory_space<hbm>>
      %dma_wait3A_70 = tpu.memref_squeeze %dma_wait3A_69 : memref<1x10240xf32, #tpu.memory_space<hbm>> -> memref<10240xf32, #tpu.memory_space<hbm>>
      %dma_wait3A_71 = arith.constant 0 : i32
      %dma_wait3A_72 = tpu.memref_slice %arg5[%add3A, %dma_wait3A_71] : memref<96x10240xf32, #tpu.memory_space<hbm>> -> memref<1x10240xf32, #tpu.memory_space<hbm>>
      %dma_wait3A_73 = tpu.memref_squeeze %dma_wait3A_72 : memref<1x10240xf32, #tpu.memory_space<hbm>> -> memref<10240xf32, #tpu.memory_space<hbm>>
      tpu.wait_dma2 semaphore(%run_scoped3A : memref<!tpu.dma_semaphore, #tpu.memory_space<semaphore_mem>>) src(%arg11 : memref<10240xf32, #tpu.memory_space<vmem>>) dst(%dma_wait3A_73 : memref<10240xf32, #tpu.memory_space<hbm>>)
      tpu.yield
    }) : () -> ()
    %add3A_58 = arith.constant 32 : i32
    %add3A_59 = arith.addi %add3A_58, %add3A : i32
    "tpu.region"() ({
      %run_scoped3A = tpu.sem_alloc : memref<!tpu.dma_semaphore, #tpu.memory_space<semaphore_mem>>
      %dma_start3A_62 = arith.constant 0 : i32
      %dma_start3A_63 = tpu.memref_slice %arg5[%add3A_59, %dma_start3A_62] : memref<96x10240xf32, #tpu.memory_space<hbm>> -> memref<1x10240xf32, #tpu.memory_space<hbm>>
      %dma_start3A_64 = tpu.memref_squeeze %dma_start3A_63 : memref<1x10240xf32, #tpu.memory_space<hbm>> -> memref<10240xf32, #tpu.memory_space<hbm>>
      %dma_start3A_65 = arith.constant 0 : i32
      %dma_start3A_66 = tpu.memref_slice %arg5[%add3A_59, %dma_start3A_65] : memref<96x10240xf32, #tpu.memory_space<hbm>> -> memref<1x10240xf32, #tpu.memory_space<hbm>>
      %dma_start3A_67 = tpu.memref_squeeze %dma_start3A_66 : memref<1x10240xf32, #tpu.memory_space<hbm>> -> memref<10240xf32, #tpu.memory_space<hbm>>
      tpu.enqueue_dma source(%arg12 : memref<10240xf32, #tpu.memory_space<vmem>>) target(%dma_start3A_67 : memref<10240xf32, #tpu.memory_space<hbm>>) target_semaphore(%run_scoped3A : memref<!tpu.dma_semaphore, #tpu.memory_space<semaphore_mem>>)
      %dma_wait3A_68 = arith.constant 0 : i32
      %dma_wait3A_69 = tpu.memref_slice %arg5[%add3A_59, %dma_wait3A_68] : memref<96x10240xf32, #tpu.memory_space<hbm>> -> memref<1x10240xf32, #tpu.memory_space<hbm>>
      %dma_wait3A_70 = tpu.memref_squeeze %dma_wait3A_69 : memref<1x10240xf32, #tpu.memory_space<hbm>> -> memref<10240xf32, #tpu.memory_space<hbm>>
      %dma_wait3A_71 = arith.constant 0 : i32
      %dma_wait3A_72 = tpu.memref_slice %arg5[%add3A_59, %dma_wait3A_71] : memref<96x10240xf32, #tpu.memory_space<hbm>> -> memref<1x10240xf32, #tpu.memory_space<hbm>>
      %dma_wait3A_73 = tpu.memref_squeeze %dma_wait3A_72 : memref<1x10240xf32, #tpu.memory_space<hbm>> -> memref<10240xf32, #tpu.memory_space<hbm>>
      tpu.wait_dma2 semaphore(%run_scoped3A : memref<!tpu.dma_semaphore, #tpu.memory_space<semaphore_mem>>) src(%arg12 : memref<10240xf32, #tpu.memory_space<vmem>>) dst(%dma_wait3A_73 : memref<10240xf32, #tpu.memory_space<hbm>>)
      tpu.yield
    }) : () -> ()
    %add3A_60 = arith.constant 64 : i32
    %add3A_61 = arith.addi %add3A_60, %add3A : i32
    "tpu.region"() ({
      %run_scoped3A = tpu.sem_alloc : memref<!tpu.dma_semaphore, #tpu.memory_space<semaphore_mem>>
      %dma_start3A_62 = arith.constant 0 : i32
      %dma_start3A_63 = tpu.memref_slice %arg5[%add3A_61, %dma_start3A_62] : memref<96x10240xf32, #tpu.memory_space<hbm>> -> memref<1x10240xf32, #tpu.memory_space<hbm>>
      %dma_start3A_64 = tpu.memref_squeeze %dma_start3A_63 : memref<1x10240xf32, #tpu.memory_space<hbm>> -> memref<10240xf32, #tpu.memory_space<hbm>>
      %dma_start3A_65 = arith.constant 0 : i32
      %dma_start3A_66 = tpu.memref_slice %arg5[%add3A_61, %dma_start3A_65] : memref<96x10240xf32, #tpu.memory_space<hbm>> -> memref<1x10240xf32, #tpu.memory_space<hbm>>
      %dma_start3A_67 = tpu.memref_squeeze %dma_start3A_66 : memref<1x10240xf32, #tpu.memory_space<hbm>> -> memref<10240xf32, #tpu.memory_space<hbm>>
      tpu.enqueue_dma source(%arg13 : memref<10240xf32, #tpu.memory_space<vmem>>) target(%dma_start3A_67 : memref<10240xf32, #tpu.memory_space<hbm>>) target_semaphore(%run_scoped3A : memref<!tpu.dma_semaphore, #tpu.memory_space<semaphore_mem>>)
      %dma_wait3A_68 = arith.constant 0 : i32
      %dma_wait3A_69 = tpu.memref_slice %arg5[%add3A_61, %dma_wait3A_68] : memref<96x10240xf32, #tpu.memory_space<hbm>> -> memref<1x10240xf32, #tpu.memory_space<hbm>>
      %dma_wait3A_70 = tpu.memref_squeeze %dma_wait3A_69 : memref<1x10240xf32, #tpu.memory_space<hbm>> -> memref<10240xf32, #tpu.memory_space<hbm>>
      %dma_wait3A_71 = arith.constant 0 : i32
      %dma_wait3A_72 = tpu.memref_slice %arg5[%add3A_61, %dma_wait3A_71] : memref<96x10240xf32, #tpu.memory_space<hbm>> -> memref<1x10240xf32, #tpu.memory_space<hbm>>
      %dma_wait3A_73 = tpu.memref_squeeze %dma_wait3A_72 : memref<1x10240xf32, #tpu.memory_space<hbm>> -> memref<10240xf32, #tpu.memory_space<hbm>>
      tpu.wait_dma2 semaphore(%run_scoped3A : memref<!tpu.dma_semaphore, #tpu.memory_space<semaphore_mem>>) src(%arg13 : memref<10240xf32, #tpu.memory_space<vmem>>) dst(%dma_wait3A_73 : memref<10240xf32, #tpu.memory_space<hbm>>)
      tpu.yield
    }) : () -> ()
    return
  }
}

module attributes {stable_mosaic.version = 14 : i64} {
  func.func @_dense_body(%arg0: memref<10000x128xf32, #tpu.memory_space<vmem>>, %arg1: memref<128x128xf32, #tpu.memory_space<vmem>>, %arg2: memref<1x128xf32, #tpu.memory_space<vmem>>, %arg3: memref<128x32xf32, #tpu.memory_space<vmem>>, %arg4: memref<1x32xf32, #tpu.memory_space<vmem>>, %arg5: memref<32x3xf32, #tpu.memory_space<vmem>>, %arg6: memref<3x10240xf32, #tpu.memory_space<vmem>>) attributes {dimension_semantics = [], scalar_prefetch = 0 : i64, scratch_operands = 0 : i64, tpu.core_type = #tpu.core_type<tc>} {
    %get3A = arith.constant 0 : index
    %get3A_0 = arith.constant 0 : index
    %get3A_1 = vector.load %arg1[%get3A, %get3A_0] : memref<128x128xf32, #tpu.memory_space<vmem>>, vector<128x128xf32>
    %get3A_2 = arith.constant 0 : index
    %get3A_3 = arith.constant 0 : index
    %get3A_4 = vector.load %arg3[%get3A_2, %get3A_3] : memref<128x32xf32, #tpu.memory_space<vmem>>, vector<128x32xf32>
    %dot_general3A = arith.constant dense<0.000000e+00> : vector<128x32xf32>
    %dot_general3A_5 = tpu.matmul %get3A_1, %get3A_4, %dot_general3A {dimension_numbers = #tpu.dot_dimension_numbers<[1], [0], [0], [1], [0, 0, 1, 1], [], []>, precision = #tpu.contract_precision<fp32>, transpose_lhs_hint = false} : vector<128x128xf32>, vector<128x32xf32>, vector<128x32xf32> -> vector<128x32xf32>
    %get3A_6 = arith.constant 0 : index
    %get3A_7 = arith.constant 0 : index
    %get3A_8 = vector.load %arg5[%get3A_6, %get3A_7] : memref<32x3xf32, #tpu.memory_space<vmem>>, vector<32x3xf32>
    %dot_general3A_9 = arith.constant dense<0.000000e+00> : vector<128x3xf32>
    %dot_general3A_10 = tpu.matmul %dot_general3A_5, %get3A_8, %dot_general3A_9 {dimension_numbers = #tpu.dot_dimension_numbers<[1], [0], [0], [1], [0, 0, 1, 1], [], []>, precision = #tpu.contract_precision<fp32>, transpose_lhs_hint = false} : vector<128x32xf32>, vector<32x3xf32>, vector<128x3xf32> -> vector<128x3xf32>
    %get3A_11 = arith.constant 0 : index
    %get3A_12 = arith.constant 0 : index
    %get3A_13 = vector.load %arg2[%get3A_11, %get3A_12] : memref<1x128xf32, #tpu.memory_space<vmem>>, vector<1x128xf32>
    %get3A_14 = arith.constant 0 : index
    %get3A_15 = arith.constant 0 : index
    %get3A_16 = vector.load %arg3[%get3A_14, %get3A_15] : memref<128x32xf32, #tpu.memory_space<vmem>>, vector<128x32xf32>
    %dot_general3A_17 = arith.constant dense<0.000000e+00> : vector<1x32xf32>
    %dot_general3A_18 = tpu.matmul %get3A_13, %get3A_16, %dot_general3A_17 {dimension_numbers = #tpu.dot_dimension_numbers<[1], [0], [0], [1], [0, 0, 1, 1], [], []>, precision = #tpu.contract_precision<fp32>, transpose_lhs_hint = false} : vector<1x128xf32>, vector<128x32xf32>, vector<1x32xf32> -> vector<1x32xf32>
    %get3A_19 = arith.constant 0 : index
    %get3A_20 = arith.constant 0 : index
    %get3A_21 = vector.load %arg4[%get3A_19, %get3A_20] : memref<1x32xf32, #tpu.memory_space<vmem>>, vector<1x32xf32>
    %add3A = arith.addf %dot_general3A_18, %get3A_21 : vector<1x32xf32>
    %get3A_22 = arith.constant 0 : index
    %get3A_23 = arith.constant 0 : index
    %get3A_24 = vector.load %arg5[%get3A_22, %get3A_23] : memref<32x3xf32, #tpu.memory_space<vmem>>, vector<32x3xf32>
    %dot_general3A_25 = arith.constant dense<0.000000e+00> : vector<3x1xf32>
    %dot_general3A_26 = tpu.matmul %get3A_24, %add3A, %dot_general3A_25 {dimension_numbers = #tpu.dot_dimension_numbers<[0], [1], [1], [0], [0, 1, 1, 0], [], []>, precision = #tpu.contract_precision<fp32>, transpose_lhs_hint = false} : vector<32x3xf32>, vector<1x32xf32>, vector<3x1xf32> -> vector<3x1xf32>
    %get3A_27 = arith.constant 0 : index
    %get3A_28 = arith.constant 0 : index
    %get3A_29 = vector.load %arg0[%get3A_27, %get3A_28] : memref<10000x128xf32, #tpu.memory_space<vmem>>, vector<10000x128xf32>
    %dot_general3A_30 = arith.constant dense<0.000000e+00> : vector<3x10000xf32>
    %dot_general3A_31 = tpu.matmul %dot_general3A_10, %get3A_29, %dot_general3A_30 {dimension_numbers = #tpu.dot_dimension_numbers<[0], [1], [1], [0], [0, 1, 1, 0], [], []>, precision = #tpu.contract_precision<fp32>, transpose_lhs_hint = false} : vector<128x3xf32>, vector<10000x128xf32>, vector<3x10000xf32> -> vector<3x10000xf32>
    %add3A_32 = vector.broadcast %dot_general3A_26 : vector<3x1xf32> to vector<3x10000xf32>
    %add3A_33 = arith.addf %dot_general3A_31, %add3A_32 : vector<3x10000xf32>
    %broadcast_in_dim3A = arith.constant 0.000000e+00 : f32
    %broadcast_in_dim3A_34 = vector.broadcast %broadcast_in_dim3A : f32 to vector<3x240xf32>
    %concatenate3A = tpu.concatenate %add3A_33, %broadcast_in_dim3A_34 in 1 : vector<3x10000xf32>, vector<3x240xf32> -> vector<3x10240xf32>
    %swap3A = arith.constant 0 : index
    %swap3A_35 = arith.constant 0 : index
    %swap3A_36 = vector.load %arg6[%swap3A, %swap3A_35] : memref<3x10240xf32, #tpu.memory_space<vmem>>, vector<3x10240xf32>
    tpu.vector_store %arg6[%swap3A, %swap3A_35], %concatenate3A {strides = array<i32>} : memref<3x10240xf32, #tpu.memory_space<vmem>>, vector<3x10240xf32>,
    return
  }
}

module attributes {stable_mosaic.version = 14 : i64} {
  func.func @_scale_body(%arg0: memref<3x10240xf32, #tpu.memory_space<vmem>>, %arg1: memref<32x10240xf32, #tpu.memory_space<vmem>>, %arg2: memref<8x10240xf32, #tpu.memory_space<vmem>>) attributes {dimension_semantics = [], scalar_prefetch = 0 : i64, scratch_operands = 0 : i64, tpu.core_type = #tpu.core_type<tc>} {
    %get3A = arith.constant 0 : index
    %get3A_0 = arith.constant 0 : index
    %get3A_1 = vector.load %arg1[%get3A, %get3A_0] : memref<32x10240xf32, #tpu.memory_space<vmem>>, vector<32x10240xf32>
    %reduce_sum3A = arith.constant dense<0.000000e+00> : vector<10240xf32>
    %reduce_sum3A_2 = vector.multi_reduction <add>, %get3A_1, %reduce_sum3A [0] : vector<32x10240xf32> to vector<10240xf32>
    %broadcast_in_dim3A = vector.shape_cast %reduce_sum3A_2 : vector<10240xf32> to vector<1x10240xf32>
    %add3A = arith.constant 1.000000e+00 : f32
    %add3A_3 = vector.broadcast %add3A : f32 to vector<1x10240xf32>
    %add3A_4 = arith.addf %broadcast_in_dim3A, %add3A_3 : vector<1x10240xf32>
    %rsqrt3A = math.rsqrt %add3A_4 : vector<1x10240xf32>
    %get3A_5 = arith.constant 0 : index
    %get3A_6 = arith.constant 0 : index
    %get3A_7 = vector.load %arg0[%get3A_5, %get3A_6] : memref<3x10240xf32, #tpu.memory_space<vmem>>, vector<3x10240xf32>
    %mul3A = vector.broadcast %rsqrt3A : vector<1x10240xf32> to vector<3x10240xf32>
    %mul3A_8 = arith.mulf %get3A_7, %mul3A : vector<3x10240xf32>
    %broadcast_in_dim3A_9 = arith.constant 0.000000e+00 : f32
    %broadcast_in_dim3A_10 = vector.broadcast %broadcast_in_dim3A_9 : f32 to vector<4x10240xf32>
    %concatenate3A = tpu.concatenate %mul3A_8, %rsqrt3A, %broadcast_in_dim3A_10 in 0 : vector<3x10240xf32>, vector<1x10240xf32>, vector<4x10240xf32> -> vector<8x10240xf32>
    %swap3A = arith.constant 0 : index
    %swap3A_11 = arith.constant 0 : index
    %swap3A_12 = vector.load %arg2[%swap3A, %swap3A_11] : memref<8x10240xf32, #tpu.memory_space<vmem>>, vector<8x10240xf32>
    tpu.vector_store %arg2[%swap3A, %swap3A_11], %concatenate3A {strides = array<i32>} : memref<8x10240xf32, #tpu.memory_space<vmem>>, vector<8x10240xf32>,
    return
  }
}

module attributes {stable_mosaic.version = 14 : i64} {
  func.func @_final_body(%arg0: memref<96x10240xf32, #tpu.memory_space<vmem>>, %arg1: memref<8x10240xf32, #tpu.memory_space<vmem>>, %arg2: memref<1x3xf32, #tpu.memory_space<vmem>>, %arg3: memref<8x10240xf32, #tpu.memory_space<vmem>>) attributes {dimension_semantics = [], scalar_prefetch = 0 : i64, scratch_operands = 0 : i64, tpu.core_type = #tpu.core_type<tc>} {
    %get3A = arith.constant 3 : index
    %get3A_0 = arith.constant 0 : index
    %get3A_1 = vector.load %arg1[%get3A, %get3A_0] : memref<8x10240xf32, #tpu.memory_space<vmem>>, vector<1x10240xf32>
    %get3A_2 = arith.constant 0 : index
    %get3A_3 = arith.constant 0 : index
    %get3A_4 = vector.load %arg0[%get3A_2, %get3A_3] : memref<96x10240xf32, #tpu.memory_space<vmem>>, vector<32x10240xf32>
    %reduce_sum3A = arith.constant dense<0.000000e+00> : vector<10240xf32>
    %reduce_sum3A_5 = vector.multi_reduction <add>, %get3A_4, %reduce_sum3A [0] : vector<32x10240xf32> to vector<10240xf32>
    %broadcast_in_dim3A = vector.shape_cast %reduce_sum3A_5 : vector<10240xf32> to vector<1x10240xf32>
    %get3A_6 = arith.constant 0 : index
    %get3A_7 = arith.constant 0 : index
    %get3A_8 = vector.load %arg1[%get3A_6, %get3A_7] : memref<8x10240xf32, #tpu.memory_space<vmem>>, vector<1x10240xf32>
    %add3A = arith.addf %broadcast_in_dim3A, %get3A_8 : vector<1x10240xf32>
    %mul3A = arith.mulf %get3A_1, %add3A : vector<1x10240xf32>
    %get3A_9 = arith.constant 0 : index
    %get3A_10 = arith.constant 0 : index
    %get3A_11 = vector.load %arg2[%get3A_9, %get3A_10] : memref<1x3xf32, #tpu.memory_space<vmem>>, vector<1x1xf32>
    %add3A_12 = vector.broadcast %get3A_11 : vector<1x1xf32> to vector<1x10240xf32>
    %add3A_13 = arith.addf %mul3A, %add3A_12 : vector<1x10240xf32>
    %get3A_14 = arith.constant 32 : index
    %get3A_15 = arith.constant 0 : index
    %get3A_16 = vector.load %arg0[%get3A_14, %get3A_15] : memref<96x10240xf32, #tpu.memory_space<vmem>>, vector<32x10240xf32>
    %reduce_sum3A_17 = arith.constant dense<0.000000e+00> : vector<10240xf32>
    %reduce_sum3A_18 = vector.multi_reduction <add>, %get3A_16, %reduce_sum3A_17 [0] : vector<32x10240xf32> to vector<10240xf32>
    %broadcast_in_dim3A_19 = vector.shape_cast %reduce_sum3A_18 : vector<10240xf32> to vector<1x10240xf32>
    %get3A_20 = arith.constant 1 : index
    %get3A_21 = arith.constant 0 : index
    %get3A_22 = vector.load %arg1[%get3A_20, %get3A_21] : memref<8x10240xf32, #tpu.memory_space<vmem>>, vector<1x10240xf32>
    %add3A_23 = arith.addf %broadcast_in_dim3A_19, %get3A_22 : vector<1x10240xf32>
    %mul3A_24 = arith.mulf %get3A_1, %add3A_23 : vector<1x10240xf32>
    %get3A_25 = arith.constant 0 : index
    %get3A_26 = arith.constant 1 : index
    %get3A_27 = vector.load %arg2[%get3A_25, %get3A_26] : memref<1x3xf32, #tpu.memory_space<vmem>>, vector<1x1xf32>
    %add3A_28 = vector.broadcast %get3A_27 : vector<1x1xf32> to vector<1x10240xf32>
    %add3A_29 = arith.addf %mul3A_24, %add3A_28 : vector<1x10240xf32>
    %get3A_30 = arith.constant 64 : index
    %get3A_31 = arith.constant 0 : index
    %get3A_32 = vector.load %arg0[%get3A_30, %get3A_31] : memref<96x10240xf32, #tpu.memory_space<vmem>>, vector<32x10240xf32>
    %reduce_sum3A_33 = arith.constant dense<0.000000e+00> : vector<10240xf32>
    %reduce_sum3A_34 = vector.multi_reduction <add>, %get3A_32, %reduce_sum3A_33 [0] : vector<32x10240xf32> to vector<10240xf32>
    %broadcast_in_dim3A_35 = vector.shape_cast %reduce_sum3A_34 : vector<10240xf32> to vector<1x10240xf32>
    %get3A_36 = arith.constant 2 : index
    %get3A_37 = arith.constant 0 : index
    %get3A_38 = vector.load %arg1[%get3A_36, %get3A_37] : memref<8x10240xf32, #tpu.memory_space<vmem>>, vector<1x10240xf32>
    %add3A_39 = arith.addf %broadcast_in_dim3A_35, %get3A_38 : vector<1x10240xf32>
    %mul3A_40 = arith.mulf %get3A_1, %add3A_39 : vector<1x10240xf32>
    %get3A_41 = arith.constant 0 : index
    %get3A_42 = arith.constant 2 : index
    %get3A_43 = vector.load %arg2[%get3A_41, %get3A_42] : memref<1x3xf32, #tpu.memory_space<vmem>>, vector<1x1xf32>
    %add3A_44 = vector.broadcast %get3A_43 : vector<1x1xf32> to vector<1x10240xf32>
    %add3A_45 = arith.addf %mul3A_40, %add3A_44 : vector<1x10240xf32>
    %broadcast_in_dim3A_46 = arith.constant 0.000000e+00 : f32
    %broadcast_in_dim3A_47 = vector.broadcast %broadcast_in_dim3A_46 : f32 to vector<5x10240xf32>
    %concatenate3A = tpu.concatenate %add3A_13, %add3A_29, %add3A_45, %broadcast_in_dim3A_47 in 0 : vector<1x10240xf32>, vector<1x10240xf32>, vector<1x10240xf32>, vector<5x10240xf32> -> vector<8x10240xf32>
    %swap3A = arith.constant 0 : index
    %swap3A_48 = arith.constant 0 : index
    %swap3A_49 = vector.load %arg3[%swap3A, %swap3A_48] : memref<8x10240xf32, #tpu.memory_space<vmem>>, vector<8x10240xf32>
    tpu.vector_store %arg3[%swap3A, %swap3A_48], %concatenate3A {strides = array<i32>} : memref<8x10240xf32, #tpu.memory_space<vmem>>, vector<8x10240xf32>,
    return
  }
}

</mosaic_0001>

<sc_bundles>
// kernel: kernel.10.cloned.1.call-start
scs
__scs_entry_jumppad:
0x0: {  	(pc) =	sbr.rel $0x88, $3  }
0x1: {  	(tag) =	ssettag $0x0;
	lr =	simm.s32 $0x1  }
0x2: {  	[smem:$0x3F99] =	sst lr;
	_ =	strace $0xD0000000  }
0x3: {  	_ = 	snop  }
0x4: {  	_ = 	snop  }
0x5: {  	_ = 	snop  }
0x6: {  	_ = 	snop  }
0x7: {  	_ = 	snop  }
__scs_overlays_trampoline_lowered:
0x8: {  	[smem:$0x3FA8] =	sst s0  }
0x9: {  	[smem:$0x3FA9] =	sst s1  }
0xa: {  	[smem:$0x3FAA] =	sst s2  }
0xb: {  	[smem:$0x3FAB] =	sst s3  }
0xc: {  	[smem:$0x3FAC] =	sst s4  }
0xd: {  	[smem:$0x3FAD] =	sst s5  }
0xe: {  	[smem:$0x3FAE] =	sst s6  }
0xf: {  	[smem:$0x3FAF] =	sst s7  }
0x10: {  	[smem:$0x3FB0] =	sst s8  }
0x11: {  	[smem:$0x3FB1] =	sst s9;
	s0 =	simm.s32 @!p0 $0x0  }
0x12: {  	s1 =	sld [smem:$0x3F97];
	s0 =	simm.s32 @p0 $0x1  }
0x13: {  	[smem:$0x3FB2] =	sst s0;
	s0 =	simm.s32 @!p1 $0x0  }
0x14: {  	s2 =	sld [smem:$0x3F96];
	s0 =	simm.s32 @p1 $0x1  }
0x15: {  	[smem:$0x3FB3] =	sst s0;
	s0 =	simm.s32 @!p2 $0x0  }
0x16: {  	s3 =	sld [smem:$0x3FDB];
	s0 =	simm.s32 @p2 $0x1  }
0x17: {  	s4 =	simm.s32 $0x1BF5;
	[smem:$0x3FB5] =	sst s0  }
0x18: {  	s0 =	sld [smem:$0x3F98];
	_ =	swait.ge [sflag:s4], $0x0  }
0x19: {  	s7 =	sld [smem:$0x3F99]  }
0x1a: {  	s8 =	sadd.s32 $0xFFFFE003, lr  }
0x1b: {  	s9 =	sadd.s32 $0xFFFFFEF7, lr;
	s5 =	simm.s32 $0xFFFFFFFF;
	p2 =	slt.u32 s8, $0xFFFFF086  }
0x1c: {  	p1 =	slt.u32 s9, $0xF7A;
	s5 =	simm.s32 @!p2 $0x0  }
0x1d: {  	s5 =	simm.s32 @p1 $0x1;
	p0 =	seq.s32 s7, s2  }
0x1e: {  	s7 =	smul.u32 @!p0 $0xF7A, s2;
	p2 =	seq.s32 @!p0 s5, $0x0  }
0x1f: {  	s9 =	smul.u32 $0xF7A, s1;
	s8 =	simm.s32 @!p0 $0x1BF5;
	p2 =	por !p2, p0  }
0x20: {  	[sflag:s8] =	ssyncset.s32 @!p0 $0xFFFFF086;
	s6 =	sadd.s32 @!p0 s3, s7;
	s7 =	simm.s32 @!p0 $0x108  }
0x21: {  	s3 =	sadd.s32 s3, s9;
	s6 =	sadd.s32 @!p0 $0x88, s6;
	s7 =	simm.s32 @p2 $0x1082  }
0x22: {  	[simem:s7], [sflag:s8] =	dma.local @!p0 [hbm:s6], $0xF7A  }
0x23: {  	s9 =	sor.u32 $0xD0000000, s2;
	s6 =	simm.s32 $0x108;
	_ =	swait.ge @!p0 [sflag:s8], $0x0  }
0x24: {  	s3 =	sadd.s32 $0x88, s3;
	s6 =	simm.s32 @!p1 $0x1082;
	[sflag:s4] =	ssyncset.s32 $0xFFFFF086  }
0x25: {  	[simem:s6], [sflag:s4] =	dma.local [hbm:s3], $0xF7A  }
0x26: {  	[smem:$0x3F99] =	sst s1;
	(tag) =	ssettag s2;
	_ =	strace s9  }
0x27: {  	s1 =	sld [smem:$0x3FA9]  }
0x28: {  	s2 =	sld [smem:$0x3FAA]  }
0x29: {  	s4 =	sld [smem:$0x3FAC]  }
0x2a: {  	p0 =	seq.s32 s5, $0x0;
	s5 =	sld [smem:$0x3FAD]  }
0x2b: {  	s6 =	sld [smem:$0x3FAE]  }
0x2c: {  	s7 =	sld [smem:$0x3FAF]  }
0x2d: {  	s3 =	simm.s32 $0x108;
	s8 =	sld [smem:$0x3FB0]  }
0x2e: {  	s3 =	simm.s32 @!p0 $0x1082;
	s9 =	sld [smem:$0x3FB1]  }
0x2f: {  	lr =	sadd.s32 s0, s3;
	s0 =	sld [smem:$0x3FA8]  }
0x30: {  	s3 =	sld [smem:$0x3FAB]  }
0x31: {  	[smem:$0x3FB4] =	sst s10  }
0x32: {  	s10 =	sld [smem:$0x3FB2];
	_ =	sdelay $0x3  }
0x33: {  	p0 =	seq.s32 s10, $0x1;
	s10 =	sld [smem:$0x3FB4];
	_ =	sdelay $0x3  }
0x34: {  	[smem:$0x3FB4] =	sst s10  }
0x35: {  	s10 =	sld [smem:$0x3FB3];
	_ =	sdelay $0x3  }
0x36: {  	p1 =	seq.s32 s10, $0x1;
	s10 =	sld [smem:$0x3FB4];
	_ =	sdelay $0x3  }
0x37: {  	[smem:$0x3FB4] =	sst s10  }
0x38: {  	s10 =	sld [smem:$0x3FB5]  }
0x39: {  	_ = 	snop;
	(pc) =	sbr.ind lr, $3  }
0x3a: {  	_ = 	snop  }
0x3b: {  	_ = 	snop  }
0x3c: {  	p2 =	seq.s32 s10, $0x1;
	s10 =	sld [smem:$0x3FB4]  }
0x3d: {  	_ =	shalt  }
0x3e: {  	_ =	shalt  }
0x3f: {  	_ =	shalt  }
0x40: {  	_ =	shalt  }
0x41: {  	_ =	shalt  }
0x42: {  	_ =	shalt  }
0x43: {  	_ =	shalt  }
0x44: {  	_ =	shalt  }
0x45: {  	_ =	shalt  }
0x46: {  	_ =	shalt  }
0x47: {  	_ =	shalt  }
0x48: {  	_ =	shalt  }
0x49: {  	_ =	shalt  }
0x4a: {  	_ =	shalt  }
0x4b: {  	_ =	shalt  }
0x4c: {  	_ =	shalt  }
0x4d: {  	_ =	shalt  }
0x4e: {  	_ =	shalt  }
0x4f: {  	_ =	shalt  }
0x50: {  	_ =	shalt  }
0x51: {  	_ =	shalt  }
0x52: {  	_ =	shalt  }
0x53: {  	_ =	shalt  }
0x54: {  	_ =	shalt  }
0x55: {  	_ =	shalt  }
0x56: {  	_ =	shalt  }
0x57: {  	_ =	shalt  }
0x58: {  	_ =	shalt  }
0x59: {  	_ =	shalt  }
0x5a: {  	_ =	shalt  }
0x5b: {  	_ =	shalt  }
0x5c: {  	_ =	shalt  }
0x5d: {  	_ =	shalt  }
0x5e: {  	_ =	shalt  }
0x5f: {  	_ =	shalt  }
0x60: {  	_ =	shalt  }
0x61: {  	_ =	shalt  }
0x62: {  	_ =	shalt  }
0x63: {  	_ =	shalt  }
0x64: {  	_ =	shalt  }
0x65: {  	_ =	shalt  }
0x66: {  	_ =	shalt  }
0x67: {  	_ =	shalt  }
0x68: {  	_ =	shalt  }
0x69: {  	_ =	shalt  }
0x6a: {  	_ =	shalt  }
0x6b: {  	_ =	shalt  }
0x6c: {  	_ =	shalt  }
0x6d: {  	_ =	shalt  }
0x6e: {  	_ =	shalt  }
0x6f: {  	_ =	shalt  }
0x70: {  	_ =	shalt  }
0x71: {  	_ =	shalt  }
0x72: {  	_ =	shalt  }
0x73: {  	_ =	shalt  }
0x74: {  	_ =	shalt  }
0x75: {  	_ =	shalt  }
0x76: {  	_ =	shalt  }
0x77: {  	_ =	shalt  }
0x78: {  	_ =	shalt  }
0x79: {  	_ =	shalt  }
0x7a: {  	_ =	shalt  }
0x7b: {  	_ =	shalt  }
0x7c: {  	_ =	shalt  }
0x7d: {  	_ =	shalt  }
0x7e: {  	_ =	shalt  }
0x7f: {  	_ =	shalt  }
0x80: {  	_ =	shalt  }
0x81: {  	_ =	shalt  }
0x82: {  	_ =	shalt  }
0x83: {  	_ =	shalt  }
0x84: {  	_ =	shalt  }
0x85: {  	_ =	shalt  }
0x86: {  	_ =	shalt  }
0x87: {  	_ =	shalt  }
.Lfunc_end0:
.L_simem_size_0:
called_computation.1_lowered:
.L_overlay_start_0:
0x88: {  	s2 =	sld [smem:$0x3FD9]  }
0x89: {  	s3 =	sld [smem:$0x3FFE];
	_ =	sdelay $0x1  }
0x8a: {  	s1 =	srdreg.scid  }
0x8b: {  	s0 =	sand.u32 $0x1, s1  }
0x8c: {  	s16 =	sshll.u32 s0, $0xA;
	s2 =	sadd.s32 s3, s2  }
0x8d: {  	s2 =	sadd.s32 s2, s16  }
0x8e: {  	[smem:$0x3FC0] =	sst s2  }
0x8f: {  	_ = 	snop  }
0x90: {  	(tm) =	ssettm $0x1  }
0x91: {  	s17 =	sld [smem:$0x3FFB];
	_ =	sdelay $0x3  }
0x92: {  	_ =	strace s17  }
0x93: {  	s2 =	sld [smem:$0x3FFC];
	_ =	sdelay $0x3  }
0x94: {  	_ =	strace s2  }
0x95: {  	s2 =	sld [smem:$0x3FFD];
	_ =	sdelay $0x3  }
0x96: {  	_ =	strace s2  }
0x97: {  	_ =	strace $0x8FFFFFFF  }
0x98: {  	s18 =	sld [smem:$0x3FDB];
	_ =	sdelay $0x1  }
0x99: {  	s19 =	simm.s32 $_scs_section_size  }
0x9a: {  	s4 =	simm.s32 $_size__tile_overlayer_lowered;
	s5 =	simm.s32 $_tile_overlayer_lowered  }
0x9b: {  	s22 =	simm.s32 $0x1BFF;
	s21 =	sshll.u32 s5, $0x1;
	s2 =	sadd.s32 s19, s18  }
0x9c: {  	s6 =	simm.s32 $0x0;
	s20 =	sshll.u32 s4, $0x1;
	s4 =	sadd.s32 s21, s2  }
0x9d: {  	[timem:s6], [sflag:s22] =	dma.local [hbm:s4], s20  }
0x9e: {  	_ =	swait.ge [sflag:s22], s20  }
0x9f: {  	s3 =	ssub.s32 $0x0, s20;
	[sflag:s22] =	ssyncset.done $0x0  }
0xa0: {  	[sflag:s22] =	ssyncadd.s32 s3;
	_ =	sdelay $0x1  }
0xa1: {  	s23 =	simm.s32 $0x1B8B  }
0xa2: {  	_ =	swait.ge [sflag:s23], $0x1  }
0xa3: {  	[sflag:s23] =	ssyncset.done $0x0  }
0xa4: {  	s25 =	simm.s32 $0x1B8E;
	s24 =	sld [smem:$0x3FFE];
	[sflag:s23] =	ssyncadd.s32 $0xFFFFFFFF  }
0xa5: {  	s26 =	simm.s32 $execute0_lowered;
	[smem:$0x3FD2] =	sst s25  }
0xa6: {  	s4 =	sshll.u32 s26, $0x1;
	_ =	strace $0x80000049;
	[dreg:$0x1] =	wrdreg $0xFFFFFFFF  }
0xa7: {  	s28 =	simm.s32 $_size_execute0_lowered;
	s2 =	sadd.s32 s2, s4;
	[dreg:$0x0] =	wrdreg $0x0  }
0xa8: {  	s4 =	sshll.u32 s28, $0x1;
	[dreg:$0x2] =	wrdreg s2  }
0xa9: {  	[dreg:$0x3] =	wrdreg s4  }
0xaa: {  	[dreg:$0x4] =	wrdreg $0xC0  }
0xab: {  	_ =	task [dreg:s6], $0x5FFFF  }
0xac: {  	[dreg:$0x1] =	wrdreg $0xFFFFFFFF  }
0xad: {  	[dreg:$0x0] =	wrdreg $0x60  }
0xae: {  	[dreg:$0x2] =	wrdreg s24  }
0xaf: {  	[dreg:$0x3] =	wrdreg $0x9  }
0xb0: {  	_ =	task.clear_ibuf [dreg:s6], $0x4FFFF;
	_ =	strace $0x90000049  }
0xb1: {  	s29 =	simm.s32 $0x9;
	_ =	strace $0x8000004B  }
0xb2: {  	_ =	swait.ge [sflag:s29], $0x1  }
0xb3: {  	[sflag:s29] =	ssyncadd.s32 $0xFFFFFFFF  }
0xb4: {  	_ =	strace $0x9000004B  }
0xb5: {  	_ =	sfence  }
0xb6: {  	s30 =	sld [smem:$0x0];
	_ =	sdelay $0x2  }
0xb7: {  	s31 =	sshll.u32 s1, $0xD;
	s1 =	sshrl.u32 s1, $0x2  }
0xb8: {  	s3 =	sand.u32 $0x4000, s31;
	s1 =	sadd.s32 s1, s30  }
0xb9: {  	s0 =	sor.u32 s3, s0;
	s1 =	sshll.u32 s1, $0x11  }
0xba: {  	s0 =	sor.u32 s1, s0  }
0xbb: {  	s0 =	sadd.s32 $0x8F2B, s0  }
0xbc: {  	[sflag:s0] =	ssyncadd.remote.s32 $0x1  }
0xbd: {  	_ =	sfence.sel $0xFFFF  }
0xbe: {  	[dreg:$0x0] =	wrdreg $0xFFFFFFFF;
	(pc) =	sbr.abs _section_cstart, $3  }
0xbf: {  	[dreg:$0x1] =	wrdreg $0xFFFFFFFF  }
0xc0: {  	_ =	task.clear_ibuf [dreg:s6], $0x2FFFF;
	_ =	strace $0x9FFFFFFF  }
0xc1: {  	(tm) =	ssettm $0x7FFFFFFF  }
tec
execute0_lowered:
.L_overlay_start_1:
0x0: {  	(tag) =	ssettag $0x1  }
0x1: {  	s1 =	srdreg.scid;
	s0 =	stileid.u32  }
0x2: {  	s7 =	rddreg [dreg:$0x0];
	s2 =	simm.s32 $0x0;
	s14 =	simm.s32 $0x400  }
0x3: {  	s15 =	simm.s32 $0x4F00;
	s16 =	simm.s32 $0x7700;
	s17 =	simm.s32 $0x9F00  }
0x4: {  	s18 =	simm.s32 $0x1;
	s19 =	simm.s32 $0xC700;
	s20 =	simm.s32 $0xEF00  }
0x5: {  	s21 =	simm.s32 $0x11700;
	s22 =	simm.s32 $0x2;
	s23 =	simm.s32 $0x0  }
0x6: {  	s4 =	sand.u32 $0x1, s1;
	s3 =	sshll.u32 s0, $0x1;
	s1 =	rddreg [dreg:$0x1]  }
0x7: {  	[smem:$0x7FF] =	sst s2;
	s10 =	sadd.s32 $0x18000, s7;
	s9 =	sshrl.u32 s0, $0x2  }
0x8: {  	s5 =	sor.u32 s4, s3;
	s4 =	ssub.s32 $0x2, s4;
	s28 =	smul.u32 $0x14000, s9  }
0x9: {  	s3 =	smul.u32 $0x4E2, s5;
	s8 =	sshrl.u32 s4, $0x1;
	s29 =	sshll.u32 s5, $0x7  }
0xa: {  	_ =	strace $0x8000004A;
	s11 =	ssub.s32 s4, s8;
	s9 =	sand.u32 $0x380, s29  }
0xb: {  	s6 =	sadd.s32 s3, s7;
	s3 =	sadd.s32 $0x15800, s7;
	s8 =	sor.u32 s28, s9  }
0xc: {  	s11 =	smax.u32 s11, $0x1;
	s4 =	sadd.s32 $0xBA00, s6;
	s5 =	sadd.s32 $0x1C00, s6  }
0xd: {  	s6 =	sadd.s32 $0x15810, s7;
	s7 =	sadd.s32 $0x15820, s7;
	s9 =	sshrl.u32 s8, $0x3  }
0xe: {  	s12 =	sadd.s32 $0x50000, s8;
	s13 =	sadd.s32 $0xA0000, s8;
	s8 =	sadd.s32 s10, s9  }
0xf: {  	s30 =	sshrl.u32 s12, $0x3;
	s31 =	sshrl.u32 s13, $0x3;
	s12 =	simm.s32 $0x2780  }
0x10: {  	v0 =	vimm.f32 $0.0e+00;
	s13 =	simm.s32 $0x80;
	s9 =	sadd.s32 s10, s30;
	s10 =	sadd.s32 s10, s31  }
.LBB2_1:
0x11: {  	[tilespmem:s2], [sflag:$0x1] =	stream.linear.gather [hbm4b:s4+s2], $0x2710, $0x38;
	[tilespmem:$0x13F00] =	vst v63  }
0x12: {  	_ = 	snop  }
0x13: {  	[tilespmem:s12], [sflag:$0x1] =	stream.linear.gather [hbm4b:s5+s2], $0x2710, $0x38;
	[tilespmem:$0x13F00] =	vst v63  }
0x14: {  	_ = 	snop  }
0x15: {  	[tilespmem:s15], [sflag:$0x1] =	stream.strided.gather [hbm4b:s3+s13], $0x2800, s14, s13, $0x38;
	[tilespmem:$0x13F00] =	vst v63  }
0x16: {  	_ = 	snop  }
0x17: {  	[tilespmem:s16], [sflag:$0x1] =	stream.strided.gather [hbm4b:s6+s13], $0x2800, s14, s13, $0x38;
	[tilespmem:$0x13F00] =	vst v63  }
0x18: {  	s26 =	simm.s32 $0xC800  }
0x19: {  	[tilespmem:s17], [sflag:$0x1] =	stream.strided.gather [hbm4b:s7+s13], $0x2800, s14, s13, $0x38;
	[tilespmem:$0x13F00] =	vst v63  }
0x1a: {  	[tilespmem:s26+$0xFFFFFF80] =	vst v0  }
0x1b: {  	[tilespmem:s26+$0x0] =	vst v0  }
0x1c: {  	[tilespmem:s26+$0x80] =	vst v0  }
0x1d: {  	s24 =	simm.s32 $0xF000;
	[tilespmem:s26+$0xFFFFFF00] =	vst v0  }
0x1e: {  	[tilespmem:s24+$0xFFFFFF80] =	vst v0  }
0x1f: {  	[tilespmem:s24+$0x0] =	vst v0  }
0x20: {  	[tilespmem:s24+$0x80] =	vst v0  }
0x21: {  	s25 =	simm.s32 $0x11800;
	[tilespmem:s24+$0xFFFFFF00] =	vst v0  }
0x22: {  	[tilespmem:s25+$0xFFFFFF80] =	vst v0  }
0x23: {  	[tilespmem:s25+$0x0] =	vst v0  }
0x24: {  	[tilespmem:s25+$0x80] =	vst v0  }
0x25: {  	[tilespmem:s25+$0xFFFFFF00] =	vst v0  }
0x26: {  	[tilespmem:s26+$0xFFFFFF90] =	vst v0  }
0x27: {  	[tilespmem:s26+$0x10] =	vst v0  }
0x28: {  	[tilespmem:s26+$0x90] =	vst v0  }
0x29: {  	[tilespmem:s26+$0xFFFFFF10] =	vst v0  }
0x2a: {  	[tilespmem:s24+$0xFFFFFF90] =	vst v0  }
0x2b: {  	[tilespmem:s24+$0x10] =	vst v0  }
0x2c: {  	[tilespmem:s24+$0x90] =	vst v0  }
0x2d: {  	[tilespmem:s24+$0xFFFFFF10] =	vst v0  }
0x2e: {  	[tilespmem:s25+$0xFFFFFF90] =	vst v0  }
0x2f: {  	[tilespmem:s25+$0x10] =	vst v0  }
0x30: {  	[tilespmem:s25+$0x90] =	vst v0  }
0x31: {  	[tilespmem:s25+$0xFFFFFF10] =	vst v0  }
0x32: {  	[tilespmem:s26+$0xFFFFFFA0] =	vst v0  }
0x33: {  	[tilespmem:s26+$0x20] =	vst v0  }
0x34: {  	[tilespmem:s26+$0xA0] =	vst v0  }
0x35: {  	[tilespmem:s26+$0xFFFFFF20] =	vst v0  }
0x36: {  	[tilespmem:s24+$0xFFFFFFA0] =	vst v0  }
0x37: {  	[tilespmem:s24+$0x20] =	vst v0  }
0x38: {  	[tilespmem:s24+$0xA0] =	vst v0  }
0x39: {  	[tilespmem:s24+$0xFFFFFF20] =	vst v0  }
0x3a: {  	[tilespmem:s25+$0xFFFFFFA0] =	vst v0  }
0x3b: {  	[tilespmem:s25+$0x20] =	vst v0  }
0x3c: {  	[tilespmem:s25+$0xA0] =	vst v0  }
0x3d: {  	[tilespmem:s25+$0xFFFFFF20] =	vst v0  }
0x3e: {  	[tilespmem:s26+$0xFFFFFFB0] =	vst v0  }
0x3f: {  	[tilespmem:s26+$0x30] =	vst v0  }
0x40: {  	[tilespmem:s26+$0xB0] =	vst v0  }
0x41: {  	[tilespmem:s26+$0xFFFFFF30] =	vst v0  }
0x42: {  	[tilespmem:s24+$0xFFFFFFB0] =	vst v0  }
0x43: {  	[tilespmem:s24+$0x30] =	vst v0  }
0x44: {  	[tilespmem:s24+$0xB0] =	vst v0  }
0x45: {  	[tilespmem:s24+$0xFFFFFF30] =	vst v0  }
0x46: {  	[tilespmem:s25+$0xFFFFFFB0] =	vst v0  }
0x47: {  	[tilespmem:s25+$0x30] =	vst v0  }
0x48: {  	[tilespmem:s25+$0xB0] =	vst v0  }
0x49: {  	[tilespmem:s25+$0xFFFFFF30] =	vst v0  }
0x4a: {  	[tilespmem:s26+$0xFFFFFFC0] =	vst v0  }
0x4b: {  	[tilespmem:s26+$0x40] =	vst v0  }
0x4c: {  	[tilespmem:s26+$0xC0] =	vst v0  }
0x4d: {  	[tilespmem:s26+$0xFFFFFF40] =	vst v0  }
0x4e: {  	[tilespmem:s24+$0xFFFFFFC0] =	vst v0  }
0x4f: {  	[tilespmem:s24+$0x40] =	vst v0  }
0x50: {  	[tilespmem:s24+$0xC0] =	vst v0  }
0x51: {  	[tilespmem:s24+$0xFFFFFF40] =	vst v0  }
0x52: {  	[tilespmem:s25+$0xFFFFFFC0] =	vst v0  }
0x53: {  	[tilespmem:s25+$0x40] =	vst v0  }
0x54: {  	[tilespmem:s25+$0xC0] =	vst v0  }
0x55: {  	[tilespmem:s25+$0xFFFFFF40] =	vst v0  }
0x56: {  	[tilespmem:s26+$0xFFFFFFD0] =	vst v0  }
0x57: {  	[tilespmem:s26+$0x50] =	vst v0  }
0x58: {  	[tilespmem:s26+$0xD0] =	vst v0  }
0x59: {  	[tilespmem:s26+$0xFFFFFF50] =	vst v0  }
0x5a: {  	[tilespmem:s24+$0xFFFFFFD0] =	vst v0  }
0x5b: {  	[tilespmem:s24+$0x50] =	vst v0  }
0x5c: {  	[tilespmem:s24+$0xD0] =	vst v0  }
0x5d: {  	[tilespmem:s24+$0xFFFFFF50] =	vst v0  }
0x5e: {  	[tilespmem:s25+$0xFFFFFFD0] =	vst v0  }
0x5f: {  	[tilespmem:s25+$0x50] =	vst v0  }
0x60: {  	[tilespmem:s25+$0xD0] =	vst v0  }
0x61: {  	[tilespmem:s25+$0xFFFFFF50] =	vst v0  }
0x62: {  	[tilespmem:s26+$0xFFFFFFE0] =	vst v0  }
0x63: {  	[tilespmem:s26+$0x60] =	vst v0  }
0x64: {  	[tilespmem:s26+$0xE0] =	vst v0  }
0x65: {  	[tilespmem:s26+$0xFFFFFF60] =	vst v0  }
0x66: {  	[tilespmem:s24+$0xFFFFFFE0] =	vst v0  }
0x67: {  	[tilespmem:s24+$0x60] =	vst v0  }
0x68: {  	[tilespmem:s24+$0xE0] =	vst v0  }
0x69: {  	[tilespmem:s24+$0xFFFFFF60] =	vst v0  }
0x6a: {  	[tilespmem:s25+$0xFFFFFFE0] =	vst v0  }
0x6b: {  	[tilespmem:s25+$0x60] =	vst v0  }
0x6c: {  	[tilespmem:s25+$0xE0] =	vst v0  }
0x6d: {  	[tilespmem:s25+$0xFFFFFF60] =	vst v0  }
0x6e: {  	[tilespmem:s26+$0xFFFFFFF0] =	vst v0  }
0x6f: {  	[tilespmem:s26+$0x70] =	vst v0  }
0x70: {  	[tilespmem:s26+$0xF0] =	vst v0  }
0x71: {  	[tilespmem:s26+$0xFFFFFF70] =	vst v0  }
0x72: {  	[tilespmem:s24+$0xFFFFFFF0] =	vst v0  }
0x73: {  	[tilespmem:s24+$0x70] =	vst v0  }
0x74: {  	[tilespmem:s24+$0xF0] =	vst v0  }
0x75: {  	[tilespmem:s24+$0xFFFFFF70] =	vst v0  }
0x76: {  	[tilespmem:s25+$0xFFFFFFF0] =	vst v0  }
0x77: {  	[tilespmem:s25+$0x70] =	vst v0  }
0x78: {  	[tilespmem:s25+$0xF0] =	vst v0  }
0x79: {  	s28 =	simm.s32 $0xCA00;
	s26 =	simm.s32 $0x0;
	[tilespmem:s25+$0xFFFFFF70] =	vst v0  }
.LBB2_2:
0x7a: {  	[tilespmem:s28+$0xFFFFFF80] =	vst v0;
	s24 =	sadd.s32 $0x200, s24  }
0x7b: {  	s25 =	sadd.s32 $0x200, s25;
	[tilespmem:s24+$0xFFFFFF80] =	vst v0  }
0x7c: {  	[tilespmem:s25+$0xFFFFFF80] =	vst v0  }
0x7d: {  	[tilespmem:s28+$0xFFFFFF90] =	vst v0  }
0x7e: {  	[tilespmem:s24+$0xFFFFFF90] =	vst v0  }
0x7f: {  	[tilespmem:s25+$0xFFFFFF90] =	vst v0  }
0x80: {  	[tilespmem:s28+$0xFFFFFFA0] =	vst v0  }
0x81: {  	[tilespmem:s24+$0xFFFFFFA0] =	vst v0  }
0x82: {  	[tilespmem:s25+$0xFFFFFFA0] =	vst v0  }
0x83: {  	[tilespmem:s28+$0xFFFFFFB0] =	vst v0  }
0x84: {  	[tilespmem:s24+$0xFFFFFFB0] =	vst v0  }
0x85: {  	[tilespmem:s25+$0xFFFFFFB0] =	vst v0  }
0x86: {  	[tilespmem:s28+$0xFFFFFFC0] =	vst v0  }
0x87: {  	[tilespmem:s24+$0xFFFFFFC0] =	vst v0  }
0x88: {  	[tilespmem:s25+$0xFFFFFFC0] =	vst v0  }
0x89: {  	[tilespmem:s28+$0xFFFFFFD0] =	vst v0  }
0x8a: {  	[tilespmem:s24+$0xFFFFFFD0] =	vst v0  }
0x8b: {  	[tilespmem:s25+$0xFFFFFFD0] =	vst v0  }
0x8c: {  	[tilespmem:s28+$0xFFFFFFE0] =	vst v0  }
0x8d: {  	[tilespmem:s24+$0xFFFFFFE0] =	vst v0  }
0x8e: {  	[tilespmem:s25+$0xFFFFFFE0] =	vst v0  }
0x8f: {  	[tilespmem:s28+$0xFFFFFFF0] =	vst v0  }
0x90: {  	[tilespmem:s24+$0xFFFFFFF0] =	vst v0  }
0x91: {  	[tilespmem:s25+$0xFFFFFFF0] =	vst v0  }
0x92: {  	[tilespmem:s28+$0x0] =	vst v0  }
0x93: {  	[tilespmem:s24+$0x0] =	vst v0  }
0x94: {  	[tilespmem:s25+$0x0] =	vst v0  }
0x95: {  	[tilespmem:s28+$0x10] =	vst v0  }
0x96: {  	[tilespmem:s24+$0x10] =	vst v0  }
0x97: {  	[tilespmem:s25+$0x10] =	vst v0  }
0x98: {  	[tilespmem:s28+$0x20] =	vst v0  }
0x99: {  	[tilespmem:s24+$0x20] =	vst v0  }
0x9a: {  	[tilespmem:s25+$0x20] =	vst v0  }
0x9b: {  	[tilespmem:s28+$0x30] =	vst v0  }
0x9c: {  	[tilespmem:s24+$0x30] =	vst v0  }
0x9d: {  	[tilespmem:s25+$0x30] =	vst v0  }
0x9e: {  	[tilespmem:s28+$0x40] =	vst v0  }
0x9f: {  	[tilespmem:s24+$0x40] =	vst v0  }
0xa0: {  	[tilespmem:s25+$0x40] =	vst v0  }
0xa1: {  	[tilespmem:s28+$0x50] =	vst v0  }
0xa2: {  	[tilespmem:s24+$0x50] =	vst v0  }
0xa3: {  	[tilespmem:s25+$0x50] =	vst v0  }
0xa4: {  	[tilespmem:s28+$0x60] =	vst v0  }
0xa5: {  	[tilespmem:s24+$0x60] =	vst v0  }
0xa6: {  	[tilespmem:s25+$0x60] =	vst v0  }
0xa7: {  	[tilespmem:s28+$0x70] =	vst v0  }
0xa8: {  	[tilespmem:s24+$0x70] =	vst v0  }
0xa9: {  	[tilespmem:s25+$0x70] =	vst v0  }
0xaa: {  	[tilespmem:s28+$0x80] =	vst v0  }
0xab: {  	[tilespmem:s24+$0x80] =	vst v0  }
0xac: {  	[tilespmem:s25+$0x80] =	vst v0  }
0xad: {  	[tilespmem:s28+$0x90] =	vst v0  }
0xae: {  	[tilespmem:s24+$0x90] =	vst v0  }
0xaf: {  	[tilespmem:s25+$0x90] =	vst v0  }
0xb0: {  	[tilespmem:s28+$0xA0] =	vst v0  }
0xb1: {  	[tilespmem:s24+$0xA0] =	vst v0  }
0xb2: {  	[tilespmem:s25+$0xA0] =	vst v0  }
0xb3: {  	[tilespmem:s28+$0xB0] =	vst v0  }
0xb4: {  	[tilespmem:s24+$0xB0] =	vst v0  }
0xb5: {  	[tilespmem:s25+$0xB0] =	vst v0  }
0xb6: {  	[tilespmem:s28+$0xC0] =	vst v0  }
0xb7: {  	[tilespmem:s24+$0xC0] =	vst v0  }
0xb8: {  	[tilespmem:s25+$0xC0] =	vst v0  }
0xb9: {  	[tilespmem:s28+$0xD0] =	vst v0  }
0xba: {  	[tilespmem:s24+$0xD0] =	vst v0  }
0xbb: {  	[tilespmem:s25+$0xD0] =	vst v0  }
0xbc: {  	[tilespmem:s28+$0xE0] =	vst v0  }
0xbd: {  	[tilespmem:s24+$0xE0] =	vst v0  }
0xbe: {  	[tilespmem:s25+$0xE0] =	vst v0  }
0xbf: {  	[tilespmem:s28+$0xF0] =	vst v0  }
0xc0: {  	[tilespmem:s24+$0xF0] =	vst v0  }
0xc1: {  	[tilespmem:s25+$0xF0] =	vst v0  }
0xc2: {  	[tilespmem:s28+$0xFFFFFF00] =	vst v0  }
0xc3: {  	[tilespmem:s24+$0xFFFFFF00] =	vst v0  }
0xc4: {  	[tilespmem:s25+$0xFFFFFF00] =	vst v0  }
0xc5: {  	[tilespmem:s28+$0xFFFFFF10] =	vst v0  }
0xc6: {  	[tilespmem:s24+$0xFFFFFF10] =	vst v0  }
0xc7: {  	[tilespmem:s25+$0xFFFFFF10] =	vst v0  }
0xc8: {  	[tilespmem:s28+$0xFFFFFF20] =	vst v0  }
0xc9: {  	[tilespmem:s24+$0xFFFFFF20] =	vst v0  }
0xca: {  	[tilespmem:s25+$0xFFFFFF20] =	vst v0  }
0xcb: {  	[tilespmem:s28+$0xFFFFFF30] =	vst v0  }
0xcc: {  	[tilespmem:s24+$0xFFFFFF30] =	vst v0  }
0xcd: {  	[tilespmem:s25+$0xFFFFFF30] =	vst v0  }
0xce: {  	[tilespmem:s28+$0xFFFFFF40] =	vst v0  }
0xcf: {  	[tilespmem:s24+$0xFFFFFF40] =	vst v0  }
0xd0: {  	[tilespmem:s25+$0xFFFFFF40] =	vst v0  }
0xd1: {  	[tilespmem:s28+$0xFFFFFF50] =	vst v0  }
0xd2: {  	[tilespmem:s24+$0xFFFFFF50] =	vst v0  }
0xd3: {  	s26 =	sadd.s32 $0x4, s26;
	[tilespmem:s25+$0xFFFFFF50] =	vst v0  }
0xd4: {  	p0 =	slt.u32 s26, $0x4C;
	[tilespmem:s28+$0xFFFFFF60] =	vst v0  }
.Ltmp0:
0xd5: {  	[tilespmem:s24+$0xFFFFFF60] =	vst v0;
	(pc) =	sbr.rel @p0 .LBB2_2-.Ltmp0, $4  }
0xd6: {  	[tilespmem:s25+$0xFFFFFF60] =	vst v0  }
0xd7: {  	[tilespmem:s28+$0xFFFFFF70] =	vst v0  }
0xd8: {  	[tilespmem:s24+$0xFFFFFF70] =	vst v0  }
0xd9: {  	s28 =	sadd.s32 $0x200, s28;
	[tilespmem:s25+$0xFFFFFF70] =	vst v0  }
0xda: {  	_ =	swait.ge [sflag:s18], $0x2710  }
0xdb: {  	[sflag:s18] =	ssyncset.done $0x0  }
0xdc: {  	[sflag:s18] =	ssyncadd.s32 $0xFFFFD8F0  }
0xdd: {  	_ =	swait.ge [sflag:s18], $0x2710  }
0xde: {  	[sflag:s18] =	ssyncset.done $0x0  }
0xdf: {  	[sflag:s18] =	ssyncadd.s32 $0xFFFFD8F0  }
0xe0: {  	_ =	swait.ge [sflag:s18], $0x2800  }
0xe1: {  	[sflag:s18] =	ssyncset.done $0x0  }
0xe2: {  	[sflag:s18] =	ssyncadd.s32 $0xFFFFD800  }
0xe3: {  	_ =	swait.ge [sflag:s18], $0x2800  }
0xe4: {  	[sflag:s18] =	ssyncset.done $0x0  }
0xe5: {  	[sflag:s18] =	ssyncadd.s32 $0xFFFFD800  }
0xe6: {  	_ =	swait.ge [sflag:s18], $0x2800  }
0xe7: {  	[sflag:s18] =	ssyncset.done $0x0  }
0xe8: {  	s25 =	simm.s32 $0x80;
	[sflag:s18] =	ssyncadd.s32 $0xFFFFD800  }
0xe9: {  	v1 =	vld [tilespmem:s25+$0x70]  }
0xea: {  	v2 =	vld [tilespmem:s25+$0xFFFFFF90]  }
0xeb: {  	v3 =	vld [tilespmem:s25+$0xFFFFFFA0]  }
0xec: {  	v4 =	vld [tilespmem:s25+$0xFFFFFFB0]  }
0xed: {  	v5 =	vld [tilespmem:s25+$0xFFFFFFC0]  }
0xee: {  	s24 =	simm.s32 $0x2800;
	v6 =	vld [tilespmem:s25+$0xFFFFFFD0]  }
0xef: {  	v7 =	vld [tilespmem:s24+$0x70]  }
0xf0: {  	v8 =	vld [tilespmem:s25+$0xFFFFFFE0]  }
0xf1: {  	v11 =	vld [tilespmem:s25+$0xFFFFFFF0]  }
0xf2: {  	v12 =	vld [tilespmem:s25+$0x0]  }
0xf3: {  	v13 =	vld [tilespmem:s25+$0x10]  }
0xf4: {  	v61 =	vld [tilespmem:s25+$0x30]  }
0xf5: {  	v62 =	vld [tilespmem:s25+$0x40]  }
0xf6: {  	v63 =	vld [tilespmem:s25+$0x50]  }
0xf7: {  	v14 =	vld [tilespmem:s25+$0x60]  }
0xf8: {  	v15 =	vld [tilespmem:s25+$0xFFFFFF80]  }
0xf9: {  	v46 =	vld [tilespmem:s24+$0xFFFFFF80]  }
0xfa: {  	v47 =	vld [tilespmem:s24+$0xFFFFFF90]  }
0xfb: {  	v48 =	vld [tilespmem:s24+$0xFFFFFFA0]  }
0xfc: {  	v49 =	vld [tilespmem:s24+$0xFFFFFFB0]  }
0xfd: {  	v50 =	vld [tilespmem:s24+$0xFFFFFFC0]  }
0xfe: {  	v51 =	vld [tilespmem:s24+$0xFFFFFFD0]  }
0xff: {  	v52 =	vld [tilespmem:s24+$0xFFFFFFE0]  }
0x100: {  	v53 =	vld [tilespmem:s24+$0xFFFFFFF0]  }
0x101: {  	v54 =	vld [tilespmem:s24+$0x0]  }
0x102: {  	v55 =	vld [tilespmem:s24+$0x10]  }
0x103: {  	v56 =	vld [tilespmem:s24+$0x20]  }
0x104: {  	v57 =	vld [tilespmem:s24+$0x30]  }
0x105: {  	v58 =	vld [tilespmem:s24+$0x40]  }
0x106: {  	v59 =	vld [tilespmem:s24+$0x50]  }
0x107: {  	v60 =	vld [tilespmem:s24+$0x60]  }
0x108: {  	v9 =	vld.idx.msk [tilespmem:v1+s15+$0x0], $0xffff  }
0x109: {  	v10 =	vld.idx.msk [tilespmem:v1+s16+$0x0], $0xffff  }
0x10a: {  	v1 =	vld.idx.msk [tilespmem:v1+s17+$0x0], $0xffff  }
0x10b: {  	v16 =	vld.idx.msk [tilespmem:v2+s15+$0x0], $0xffff  }
0x10c: {  	v17 =	vld.idx.msk [tilespmem:v2+s16+$0x0], $0xffff  }
0x10d: {  	v2 =	vld.idx.msk [tilespmem:v2+s17+$0x0], $0xffff  }
0x10e: {  	v18 =	vld.idx.msk [tilespmem:v3+s15+$0x0], $0xffff  }
0x10f: {  	v19 =	vld.idx.msk [tilespmem:v3+s16+$0x0], $0xffff  }
0x110: {  	v3 =	vld.idx.msk [tilespmem:v3+s17+$0x0], $0xffff  }
0x111: {  	v20 =	vld.idx.msk [tilespmem:v4+s15+$0x0], $0xffff  }
0x112: {  	v21 =	vld.idx.msk [tilespmem:v15+s15+$0x0], $0xffff  }
0x113: {  	v22 =	vld.idx.msk [tilespmem:v15+s16+$0x0], $0xffff  }
0x114: {  	v15 =	vld.idx.msk [tilespmem:v15+s17+$0x0], $0xffff  }
0x115: {  	v23 =	vld.idx.msk [tilespmem:v4+s16+$0x0], $0xffff  }
0x116: {  	v4 =	vld.idx.msk [tilespmem:v4+s17+$0x0], $0xffff  }
0x117: {  	v24 =	vld.idx.msk [tilespmem:v5+s15+$0x0], $0xffff  }
0x118: {  	v25 =	vld.idx.msk [tilespmem:v5+s16+$0x0], $0xffff  }
0x119: {  	v5 =	vld.idx.msk [tilespmem:v5+s17+$0x0], $0xffff  }
0x11a: {  	v26 =	vld.idx.msk [tilespmem:v6+s15+$0x0], $0xffff  }
0x11b: {  	v27 =	vld.idx.msk [tilespmem:v6+s16+$0x0], $0xffff  }
0x11c: {  	v6 =	vld.idx.msk [tilespmem:v6+s17+$0x0], $0xffff  }
0x11d: {  	v28 =	vld.idx.msk [tilespmem:v8+s15+$0x0], $0xffff  }
0x11e: {  	v29 =	vld.idx.msk [tilespmem:v8+s16+$0x0], $0xffff  }
0x11f: {  	v8 =	vld.idx.msk [tilespmem:v8+s17+$0x0], $0xffff  }
0x120: {  	v30 =	vld.idx.msk [tilespmem:v11+s15+$0x0], $0xffff  }
0x121: {  	v31 =	vld.idx.msk [tilespmem:v11+s16+$0x0], $0xffff  }
0x122: {  	v11 =	vld.idx.msk [tilespmem:v11+s17+$0x0], $0xffff  }
0x123: {  	v32 =	vld.idx.msk [tilespmem:v12+s15+$0x0], $0xffff  }
0x124: {  	v33 =	vld.idx.msk [tilespmem:v12+s16+$0x0], $0xffff  }
0x125: {  	v12 =	vld.idx.msk [tilespmem:v12+s17+$0x0], $0xffff  }
0x126: {  	v34 =	vld.idx.msk [tilespmem:v13+s15+$0x0], $0xffff  }
0x127: {  	v35 =	vld.idx.msk [tilespmem:v13+s16+$0x0], $0xffff  }
0x128: {  	v13 =	vld.idx.msk [tilespmem:v13+s17+$0x0], $0xffff  }
0x129: {  	v38 =	vld.idx.msk [tilespmem:v61+s15+$0x0], $0xffff  }
0x12a: {  	v39 =	vld.idx.msk [tilespmem:v61+s16+$0x0], $0xffff  }
0x12b: {  	v40 =	vld.idx.msk [tilespmem:v62+s15+$0x0], $0xffff  }
0x12c: {  	v41 =	vld.idx.msk [tilespmem:v62+s16+$0x0], $0xffff  }
0x12d: {  	v42 =	vld.idx.msk [tilespmem:v63+s15+$0x0], $0xffff  }
0x12e: {  	v43 =	vld.idx.msk [tilespmem:v63+s16+$0x0], $0xffff  }
0x12f: {  	v44 =	vld.idx.msk [tilespmem:v14+s15+$0x0], $0xffff  }
0x130: {  	v45 =	vld.idx.msk [tilespmem:v14+s16+$0x0], $0xffff  }
0x131: {  	v14 =	vld.idx.msk [tilespmem:v14+s17+$0x0], $0xffff  }
0x132: {  	[tilespmem:v7+s19+$0x0] =	vst.idx.add.f32.msk $0xffff, v9  }
0x133: {  	v9 =	vld.idx.msk [tilespmem:v62+s17+$0x0], $0xffff  }
0x134: {  	[tilespmem:v46+s19+$0x0] =	vst.idx.add.f32.msk $0xffff, v21  }
0x135: {  	[tilespmem:v47+s19+$0x0] =	vst.idx.add.f32.msk $0xffff, v16  }
0x136: {  	[tilespmem:v48+s19+$0x0] =	vst.idx.add.f32.msk $0xffff, v18  }
0x137: {  	[tilespmem:v49+s19+$0x0] =	vst.idx.add.f32.msk $0xffff, v20  }
0x138: {  	[tilespmem:v50+s19+$0x0] =	vst.idx.add.f32.msk $0xffff, v24  }
0x139: {  	[tilespmem:v51+s19+$0x0] =	vst.idx.add.f32.msk $0xffff, v26  }
0x13a: {  	[tilespmem:v52+s19+$0x0] =	vst.idx.add.f32.msk $0xffff, v28  }
0x13b: {  	[tilespmem:v53+s19+$0x0] =	vst.idx.add.f32.msk $0xffff, v30  }
0x13c: {  	[tilespmem:v54+s19+$0x0] =	vst.idx.add.f32.msk $0xffff, v32  }
0x13d: {  	[tilespmem:v55+s19+$0x0] =	vst.idx.add.f32.msk $0xffff, v34  }
0x13e: {  	[tilespmem:v58+s19+$0x0] =	vst.idx.add.f32.msk $0xffff, v40  }
0x13f: {  	[tilespmem:v60+s19+$0x0] =	vst.idx.add.f32.msk $0xffff, v44  }
0x140: {  	[tilespmem:v7+s20+$0x0] =	vst.idx.add.f32.msk $0xffff, v10  }
0x141: {  	v10 =	vld.idx.msk [tilespmem:v63+s17+$0x0], $0xffff  }
0x142: {  	[tilespmem:v46+s20+$0x0] =	vst.idx.add.f32.msk $0xffff, v22  }
0x143: {  	[tilespmem:v47+s20+$0x0] =	vst.idx.add.f32.msk $0xffff, v17  }
0x144: {  	[tilespmem:v48+s20+$0x0] =	vst.idx.add.f32.msk $0xffff, v19  }
0x145: {  	[tilespmem:v49+s20+$0x0] =	vst.idx.add.f32.msk $0xffff, v23  }
0x146: {  	[tilespmem:v50+s20+$0x0] =	vst.idx.add.f32.msk $0xffff, v25  }
0x147: {  	[tilespmem:v51+s20+$0x0] =	vst.idx.add.f32.msk $0xffff, v27  }
0x148: {  	[tilespmem:v52+s20+$0x0] =	vst.idx.add.f32.msk $0xffff, v29  }
0x149: {  	[tilespmem:v53+s20+$0x0] =	vst.idx.add.f32.msk $0xffff, v31  }
0x14a: {  	[tilespmem:v54+s20+$0x0] =	vst.idx.add.f32.msk $0xffff, v33  }
0x14b: {  	[tilespmem:v55+s20+$0x0] =	vst.idx.add.f32.msk $0xffff, v35  }
0x14c: {  	[tilespmem:v58+s20+$0x0] =	vst.idx.add.f32.msk $0xffff, v41  }
0x14d: {  	[tilespmem:v59+s19+$0x0] =	vst.idx.add.f32.msk $0xffff, v42  }
0x14e: {  	[tilespmem:v60+s20+$0x0] =	vst.idx.add.f32.msk $0xffff, v45  }
0x14f: {  	[tilespmem:v7+s21+$0x0] =	vst.idx.add.f32.msk $0xffff, v1  }
0x150: {  	v1 =	vld [tilespmem:s25+$0x20]  }
0x151: {  	v7 =	vld.idx.msk [tilespmem:v61+s17+$0x0], $0xffff  }
0x152: {  	[tilespmem:v46+s21+$0x0] =	vst.idx.add.f32.msk $0xffff, v15  }
0x153: {  	[tilespmem:v47+s21+$0x0] =	vst.idx.add.f32.msk $0xffff, v2  }
0x154: {  	[tilespmem:v48+s21+$0x0] =	vst.idx.add.f32.msk $0xffff, v3  }
0x155: {  	[tilespmem:v49+s21+$0x0] =	vst.idx.add.f32.msk $0xffff, v4  }
0x156: {  	[tilespmem:v50+s21+$0x0] =	vst.idx.add.f32.msk $0xffff, v5  }
0x157: {  	[tilespmem:v51+s21+$0x0] =	vst.idx.add.f32.msk $0xffff, v6  }
0x158: {  	[tilespmem:v52+s21+$0x0] =	vst.idx.add.f32.msk $0xffff, v8  }
0x159: {  	[tilespmem:v53+s21+$0x0] =	vst.idx.add.f32.msk $0xffff, v11  }
0x15a: {  	[tilespmem:v54+s21+$0x0] =	vst.idx.add.f32.msk $0xffff, v12  }
0x15b: {  	[tilespmem:v55+s21+$0x0] =	vst.idx.add.f32.msk $0xffff, v13  }
0x15c: {  	[tilespmem:v57+s19+$0x0] =	vst.idx.add.f32.msk $0xffff, v38  }
0x15d: {  	[tilespmem:v59+s20+$0x0] =	vst.idx.add.f32.msk $0xffff, v43  }
0x15e: {  	[tilespmem:v60+s21+$0x0] =	vst.idx.add.f32.msk $0xffff, v14  }
0x15f: {  	[tilespmem:v57+s20+$0x0] =	vst.idx.add.f32.msk $0xffff, v39  }
0x160: {  	[tilespmem:v58+s21+$0x0] =	vst.idx.add.f32.msk $0xffff, v9  }
0x161: {  	v36 =	vld.idx.msk [tilespmem:v1+s15+$0x0], $0xffff  }
0x162: {  	v37 =	vld.idx.msk [tilespmem:v1+s16+$0x0], $0xffff  }
0x163: {  	v1 =	vld.idx.msk [tilespmem:v1+s17+$0x0], $0xffff  }
0x164: {  	[tilespmem:v59+s21+$0x0] =	vst.idx.add.f32.msk $0xffff, v10  }
0x165: {  	[tilespmem:v57+s21+$0x0] =	vst.idx.add.f32.msk $0xffff, v7  }
0x166: {  	[tilespmem:v56+s19+$0x0] =	vst.idx.add.f32.msk $0xffff, v36  }
0x167: {  	[tilespmem:v56+s20+$0x0] =	vst.idx.add.f32.msk $0xffff, v37  }
0x168: {  	s26 =	simm.s32 $0x180;
	s25 =	simm.s32 $0x0;
	[tilespmem:v56+s21+$0x0] =	vst.idx.add.f32.msk $0xffff, v1  }
.LBB2_4:
0x169: {  	v1 =	vld [tilespmem:s26+$0x70]  }
0x16a: {  	v2 =	vld [tilespmem:s26+$0xFFFFFF90]  }
0x16b: {  	s25 =	sadd.s32 $0x10, s25;
	v3 =	vld [tilespmem:s26+$0xFFFFFFA0]  }
0x16c: {  	p0 =	slt.u32 s25, $0x260;
	v4 =	vld [tilespmem:s26+$0xFFFFFFB0]  }
0x16d: {  	v5 =	vld [tilespmem:s26+$0xFFFFFFC0]  }
0x16e: {  	s24 =	sadd.s32 $0x100, s24;
	v6 =	vld [tilespmem:s26+$0xFFFFFFD0]  }
0x16f: {  	v7 =	vld [tilespmem:s24+$0x70]  }
0x170: {  	v8 =	vld [tilespmem:s26+$0xFFFFFFE0]  }
0x171: {  	v9 =	vld.idx.msk [tilespmem:v1+s15+$0x0], $0xffff  }
0x172: {  	v10 =	vld.idx.msk [tilespmem:v1+s16+$0x0], $0xffff  }
0x173: {  	v1 =	vld.idx.msk [tilespmem:v1+s17+$0x0], $0xffff  }
0x174: {  	v11 =	vld [tilespmem:s26+$0xFFFFFFF0]  }
0x175: {  	v12 =	vld [tilespmem:s26+$0x0]  }
0x176: {  	v13 =	vld [tilespmem:s26+$0x10]  }
0x177: {  	[tilespmem:v7+s19+$0x0] =	vst.idx.add.f32.msk $0xffff, v9  }
0x178: {  	[tilespmem:v7+s20+$0x0] =	vst.idx.add.f32.msk $0xffff, v10  }
0x179: {  	[tilespmem:v7+s21+$0x0] =	vst.idx.add.f32.msk $0xffff, v1  }
0x17a: {  	v1 =	vld [tilespmem:s26+$0x20]  }
0x17b: {  	v7 =	vld [tilespmem:s26+$0x30]  }
0x17c: {  	v9 =	vld [tilespmem:s26+$0x40]  }
0x17d: {  	v10 =	vld [tilespmem:s26+$0x50]  }
0x17e: {  	v14 =	vld [tilespmem:s26+$0x60]  }
0x17f: {  	v15 =	vld [tilespmem:s26+$0xFFFFFF80]  }
0x180: {  	v16 =	vld.idx.msk [tilespmem:v2+s15+$0x0], $0xffff  }
0x181: {  	v17 =	vld.idx.msk [tilespmem:v2+s16+$0x0], $0xffff  }
0x182: {  	v2 =	vld.idx.msk [tilespmem:v2+s17+$0x0], $0xffff  }
0x183: {  	v18 =	vld.idx.msk [tilespmem:v3+s15+$0x0], $0xffff  }
0x184: {  	v19 =	vld.idx.msk [tilespmem:v3+s16+$0x0], $0xffff  }
0x185: {  	v3 =	vld.idx.msk [tilespmem:v3+s17+$0x0], $0xffff  }
0x186: {  	v20 =	vld.idx.msk [tilespmem:v4+s15+$0x0], $0xffff  }
0x187: {  	v21 =	vld.idx.msk [tilespmem:v15+s15+$0x0], $0xffff  }
0x188: {  	v22 =	vld.idx.msk [tilespmem:v15+s16+$0x0], $0xffff  }
0x189: {  	v15 =	vld.idx.msk [tilespmem:v15+s17+$0x0], $0xffff  }
0x18a: {  	v23 =	vld.idx.msk [tilespmem:v4+s16+$0x0], $0xffff  }
0x18b: {  	v4 =	vld.idx.msk [tilespmem:v4+s17+$0x0], $0xffff  }
0x18c: {  	v24 =	vld.idx.msk [tilespmem:v5+s15+$0x0], $0xffff  }
0x18d: {  	v25 =	vld.idx.msk [tilespmem:v5+s16+$0x0], $0xffff  }
0x18e: {  	v5 =	vld.idx.msk [tilespmem:v5+s17+$0x0], $0xffff  }
0x18f: {  	v26 =	vld.idx.msk [tilespmem:v6+s15+$0x0], $0xffff  }
0x190: {  	v27 =	vld.idx.msk [tilespmem:v6+s16+$0x0], $0xffff  }
0x191: {  	v6 =	vld.idx.msk [tilespmem:v6+s17+$0x0], $0xffff  }
0x192: {  	v28 =	vld.idx.msk [tilespmem:v8+s15+$0x0], $0xffff  }
0x193: {  	v29 =	vld.idx.msk [tilespmem:v8+s16+$0x0], $0xffff  }
0x194: {  	v8 =	vld.idx.msk [tilespmem:v8+s17+$0x0], $0xffff  }
0x195: {  	v30 =	vld.idx.msk [tilespmem:v11+s15+$0x0], $0xffff  }
0x196: {  	v31 =	vld.idx.msk [tilespmem:v11+s16+$0x0], $0xffff  }
0x197: {  	v11 =	vld.idx.msk [tilespmem:v11+s17+$0x0], $0xffff  }
0x198: {  	v32 =	vld.idx.msk [tilespmem:v12+s15+$0x0], $0xffff  }
0x199: {  	v33 =	vld.idx.msk [tilespmem:v12+s16+$0x0], $0xffff  }
0x19a: {  	v12 =	vld.idx.msk [tilespmem:v12+s17+$0x0], $0xffff  }
0x19b: {  	v34 =	vld.idx.msk [tilespmem:v13+s15+$0x0], $0xffff  }
0x19c: {  	v35 =	vld.idx.msk [tilespmem:v13+s16+$0x0], $0xffff  }
0x19d: {  	v13 =	vld.idx.msk [tilespmem:v13+s17+$0x0], $0xffff  }
0x19e: {  	v36 =	vld.idx.msk [tilespmem:v1+s15+$0x0], $0xffff  }
0x19f: {  	v37 =	vld.idx.msk [tilespmem:v1+s16+$0x0], $0xffff  }
0x1a0: {  	v1 =	vld.idx.msk [tilespmem:v1+s17+$0x0], $0xffff  }
0x1a1: {  	v38 =	vld.idx.msk [tilespmem:v7+s15+$0x0], $0xffff  }
0x1a2: {  	v39 =	vld.idx.msk [tilespmem:v7+s16+$0x0], $0xffff  }
0x1a3: {  	v7 =	vld.idx.msk [tilespmem:v7+s17+$0x0], $0xffff  }
0x1a4: {  	v40 =	vld.idx.msk [tilespmem:v9+s15+$0x0], $0xffff  }
0x1a5: {  	v41 =	vld.idx.msk [tilespmem:v9+s16+$0x0], $0xffff  }
0x1a6: {  	v9 =	vld.idx.msk [tilespmem:v9+s17+$0x0], $0xffff  }
0x1a7: {  	v42 =	vld.idx.msk [tilespmem:v10+s15+$0x0], $0xffff  }
0x1a8: {  	v43 =	vld.idx.msk [tilespmem:v10+s16+$0x0], $0xffff  }
0x1a9: {  	v10 =	vld.idx.msk [tilespmem:v10+s17+$0x0], $0xffff  }
0x1aa: {  	v44 =	vld.idx.msk [tilespmem:v14+s15+$0x0], $0xffff  }
0x1ab: {  	v45 =	vld.idx.msk [tilespmem:v14+s16+$0x0], $0xffff  }
0x1ac: {  	v14 =	vld.idx.msk [tilespmem:v14+s17+$0x0], $0xffff  }
0x1ad: {  	v46 =	vld [tilespmem:s24+$0xFFFFFF80]  }
0x1ae: {  	v47 =	vld [tilespmem:s24+$0xFFFFFF90]  }
0x1af: {  	v48 =	vld [tilespmem:s24+$0xFFFFFFA0]  }
0x1b0: {  	v49 =	vld [tilespmem:s24+$0xFFFFFFB0]  }
0x1b1: {  	v50 =	vld [tilespmem:s24+$0xFFFFFFC0]  }
0x1b2: {  	v51 =	vld [tilespmem:s24+$0xFFFFFFD0]  }
0x1b3: {  	v52 =	vld [tilespmem:s24+$0xFFFFFFE0]  }
0x1b4: {  	v53 =	vld [tilespmem:s24+$0xFFFFFFF0]  }
0x1b5: {  	v54 =	vld [tilespmem:s24+$0x0]  }
0x1b6: {  	v55 =	vld [tilespmem:s24+$0x10]  }
0x1b7: {  	v56 =	vld [tilespmem:s24+$0x20]  }
0x1b8: {  	v57 =	vld [tilespmem:s24+$0x30]  }
0x1b9: {  	v58 =	vld [tilespmem:s24+$0x40]  }
0x1ba: {  	v59 =	vld [tilespmem:s24+$0x50]  }
0x1bb: {  	v60 =	vld [tilespmem:s24+$0x60]  }
0x1bc: {  	[tilespmem:v46+s19+$0x0] =	vst.idx.add.f32.msk $0xffff, v21  }
0x1bd: {  	[tilespmem:v46+s20+$0x0] =	vst.idx.add.f32.msk $0xffff, v22  }
0x1be: {  	[tilespmem:v46+s21+$0x0] =	vst.idx.add.f32.msk $0xffff, v15  }
0x1bf: {  	[tilespmem:v47+s19+$0x0] =	vst.idx.add.f32.msk $0xffff, v16  }
0x1c0: {  	[tilespmem:v47+s20+$0x0] =	vst.idx.add.f32.msk $0xffff, v17  }
0x1c1: {  	[tilespmem:v47+s21+$0x0] =	vst.idx.add.f32.msk $0xffff, v2  }
0x1c2: {  	[tilespmem:v48+s19+$0x0] =	vst.idx.add.f32.msk $0xffff, v18  }
0x1c3: {  	[tilespmem:v48+s20+$0x0] =	vst.idx.add.f32.msk $0xffff, v19  }
0x1c4: {  	[tilespmem:v48+s21+$0x0] =	vst.idx.add.f32.msk $0xffff, v3  }
0x1c5: {  	[tilespmem:v49+s19+$0x0] =	vst.idx.add.f32.msk $0xffff, v20  }
0x1c6: {  	[tilespmem:v49+s20+$0x0] =	vst.idx.add.f32.msk $0xffff, v23  }
0x1c7: {  	[tilespmem:v49+s21+$0x0] =	vst.idx.add.f32.msk $0xffff, v4  }
0x1c8: {  	[tilespmem:v50+s19+$0x0] =	vst.idx.add.f32.msk $0xffff, v24  }
0x1c9: {  	[tilespmem:v50+s20+$0x0] =	vst.idx.add.f32.msk $0xffff, v25  }
0x1ca: {  	[tilespmem:v50+s21+$0x0] =	vst.idx.add.f32.msk $0xffff, v5  }
0x1cb: {  	[tilespmem:v51+s19+$0x0] =	vst.idx.add.f32.msk $0xffff, v26  }
0x1cc: {  	[tilespmem:v51+s20+$0x0] =	vst.idx.add.f32.msk $0xffff, v27  }
0x1cd: {  	[tilespmem:v51+s21+$0x0] =	vst.idx.add.f32.msk $0xffff, v6  }
0x1ce: {  	[tilespmem:v52+s19+$0x0] =	vst.idx.add.f32.msk $0xffff, v28  }
0x1cf: {  	[tilespmem:v52+s20+$0x0] =	vst.idx.add.f32.msk $0xffff, v29  }
0x1d0: {  	[tilespmem:v52+s21+$0x0] =	vst.idx.add.f32.msk $0xffff, v8  }
0x1d1: {  	[tilespmem:v53+s19+$0x0] =	vst.idx.add.f32.msk $0xffff, v30  }
0x1d2: {  	[tilespmem:v53+s20+$0x0] =	vst.idx.add.f32.msk $0xffff, v31  }
0x1d3: {  	[tilespmem:v53+s21+$0x0] =	vst.idx.add.f32.msk $0xffff, v11  }
0x1d4: {  	[tilespmem:v54+s19+$0x0] =	vst.idx.add.f32.msk $0xffff, v32  }
0x1d5: {  	[tilespmem:v54+s20+$0x0] =	vst.idx.add.f32.msk $0xffff, v33  }
0x1d6: {  	[tilespmem:v54+s21+$0x0] =	vst.idx.add.f32.msk $0xffff, v12  }
0x1d7: {  	[tilespmem:v55+s19+$0x0] =	vst.idx.add.f32.msk $0xffff, v34  }
0x1d8: {  	[tilespmem:v55+s20+$0x0] =	vst.idx.add.f32.msk $0xffff, v35  }
0x1d9: {  	[tilespmem:v55+s21+$0x0] =	vst.idx.add.f32.msk $0xffff, v13  }
0x1da: {  	[tilespmem:v56+s19+$0x0] =	vst.idx.add.f32.msk $0xffff, v36  }
0x1db: {  	[tilespmem:v56+s20+$0x0] =	vst.idx.add.f32.msk $0xffff, v37  }
0x1dc: {  	[tilespmem:v56+s21+$0x0] =	vst.idx.add.f32.msk $0xffff, v1  }
0x1dd: {  	[tilespmem:v57+s19+$0x0] =	vst.idx.add.f32.msk $0xffff, v38  }
0x1de: {  	[tilespmem:v57+s20+$0x0] =	vst.idx.add.f32.msk $0xffff, v39  }
0x1df: {  	[tilespmem:v57+s21+$0x0] =	vst.idx.add.f32.msk $0xffff, v7  }
0x1e0: {  	[tilespmem:v58+s19+$0x0] =	vst.idx.add.f32.msk $0xffff, v40  }
0x1e1: {  	[tilespmem:v58+s20+$0x0] =	vst.idx.add.f32.msk $0xffff, v41  }
0x1e2: {  	[tilespmem:v58+s21+$0x0] =	vst.idx.add.f32.msk $0xffff, v9  }
0x1e3: {  	[tilespmem:v59+s19+$0x0] =	vst.idx.add.f32.msk $0xffff, v42  }
.Ltmp1:
0x1e4: {  	[tilespmem:v59+s20+$0x0] =	vst.idx.add.f32.msk $0xffff, v43;
	(pc) =	sbr.rel @p0 .LBB2_4-.Ltmp1, $4  }
0x1e5: {  	[tilespmem:v59+s21+$0x0] =	vst.idx.add.f32.msk $0xffff, v10  }
0x1e6: {  	[tilespmem:v60+s19+$0x0] =	vst.idx.add.f32.msk $0xffff, v44  }
0x1e7: {  	[tilespmem:v60+s20+$0x0] =	vst.idx.add.f32.msk $0xffff, v45  }
0x1e8: {  	s26 =	sadd.s32 $0x100, s26;
	[tilespmem:v60+s21+$0x0] =	vst.idx.add.f32.msk $0xffff, v14  }
0x1e9: {  	v1 =	vld [tilespmem:$0x2700];
	_ =	sdelay $0x4  }
0x1ea: {  	v2 =	vld [tilespmem:$0x4E80];
	_ =	sdelay $0x2  }
0x1eb: {  	v3 =	vld.idx.msk [tilespmem:v1+s15+$0x0], $0xffff  }
0x1ec: {  	v4 =	vld.idx.msk [tilespmem:v1+s16+$0x0], $0xffff  }
0x1ed: {  	v1 =	vld.idx.msk [tilespmem:v1+s17+$0x0], $0xffff;
	_ =	sdelay $0x2  }
0x1ee: {  	[tilespmem:v2+s19+$0x0] =	vst.idx.add.f32.msk $0xffff, v3  }
0x1ef: {  	[tilespmem:v2+s20+$0x0] =	vst.idx.add.f32.msk $0xffff, v4  }
0x1f0: {  	[tilespmem:v2+s21+$0x0] =	vst.idx.add.f32.msk $0xffff, v1  }
0x1f1: {  	[hbm4b:s8+s13] =	stream.strided.scatter [tilespmem:s19], [sflag:$0x2], $0x2800, s14, s13, $0x38;
	[tilespmem:$0x13F00] =	vst v63  }
0x1f2: {  	_ =	swait.ge [sflag:s22], $0x2800  }
0x1f3: {  	[sflag:s22] =	ssyncset.done $0x0  }
0x1f4: {  	[sflag:s22] =	ssyncadd.s32 $0xFFFFD800  }
0x1f5: {  	[hbm4b:s9+s13] =	stream.strided.scatter [tilespmem:s20], [sflag:$0x2], $0x2800, s14, s13, $0x38;
	[tilespmem:$0x13F00] =	vst v63  }
0x1f6: {  	s23 =	sadd.s32 $0x1, s23;
	_ =	swait.ge [sflag:s22], $0x2800  }
0x1f7: {  	p0 =	sne.s32 s23, s11;
	[sflag:s22] =	ssyncset.done $0x0  }
.Ltmp2:
0x1f8: {  	[sflag:s22] =	ssyncadd.s32 $0xFFFFD800;
	(pc) =	sbr.rel @p0 .LBB2_1-.Ltmp2, $4  }
0x1f9: {  	[hbm4b:s10+s13] =	stream.strided.scatter [tilespmem:s21], [sflag:$0x2], $0x2800, s14, s13, $0x38;
	[tilespmem:$0x13F00] =	vst v63  }
0x1fa: {  	_ =	swait.ge [sflag:s22], $0x2800  }
0x1fb: {  	[sflag:s22] =	ssyncset.done $0x0  }
0x1fc: {  	[sflag:s22] =	ssyncadd.s32 $0xFFFFD800  }
0x1fd: {  	_ =	sfence.sel $0x180000  }
0x1fe: {  	[bflag:$0x0] =	sbarrier.arrive $0xFFFF  }
0x1ff: {  	p0 =	sne.s32 s0, $0x0;
	_ =	strace $0x9000004A  }
0x200: {  	s0 =	sadd.s32 @!p0 $0x100000, s1;
	[bflag:$0x2] =	sbarrier.arrive $0xFFFF  }
0x201: {  	[sflag:s0] =	ssyncadd.tile.s32 @!p0 $0x1;
	_ =	shalt  }
.Lfunc_end2:
_tile_overlayer_lowered:
.L_overlay_start_2:
0x202: {  	(tag) =	ssettag $0x2  }
0x203: {  	s0 =	rddreg [dreg:$0x0];
	s2 =	stileid.u32  }
0x204: {  	s1 =	rddreg [dreg:$0x1];
	p0 =	sne.s32 s2, $0x0  }
0x205: {  	s3 =	rddreg [dreg:$0x2];
	[bflag:$0x3] =	sbarrier.arrive $0xFFFF;
	s2 =	simm.s32 @!p0 $0x1C02  }
0x206: {  	[timem:s3], [sflag:s2] =	dma.local @!p0 [hbm:s0], s1  }
0x207: {  	s0 =	simm.s32 @!p0 $0x2  }
0x208: {  	_ =	swait.ge @!p0 [sflag:s0], s1  }
0x209: {  	s1 =	ssub.s32 @!p0 $0x0, s1;
	[sflag:s0] =	ssyncset.done @!p0 $0x0  }
0x20a: {  	[sflag:s0] =	ssyncadd.s32 @!p0 s1  }
0x20b: {  	[bflag:$0x3] =	sbarrier.arrive $0xFFFF  }
0x20c: {  	_ =	shalt  }

// kernel: kernel.7.cloned.1.call-start
scs
__scs_entry_jumppad:
0x0: {  	(pc) =	sbr.rel $0x88, $3  }
0x1: {  	(tag) =	ssettag $0x0;
	lr =	simm.s32 $0x1  }
0x2: {  	[smem:$0x3F99] =	sst lr;
	_ =	strace $0xD0000000  }
0x3: {  	_ = 	snop  }
0x4: {  	_ = 	snop  }
0x5: {  	_ = 	snop  }
0x6: {  	_ = 	snop  }
0x7: {  	_ = 	snop  }
__scs_overlays_trampoline_lowered:
0x8: {  	[smem:$0x3FA8] =	sst s0  }
0x9: {  	[smem:$0x3FA9] =	sst s1  }
0xa: {  	[smem:$0x3FAA] =	sst s2  }
0xb: {  	[smem:$0x3FAB] =	sst s3  }
0xc: {  	[smem:$0x3FAC] =	sst s4  }
0xd: {  	[smem:$0x3FAD] =	sst s5  }
0xe: {  	[smem:$0x3FAE] =	sst s6  }
0xf: {  	[smem:$0x3FAF] =	sst s7  }
0x10: {  	[smem:$0x3FB0] =	sst s8  }
0x11: {  	[smem:$0x3FB1] =	sst s9;
	s0 =	simm.s32 @!p0 $0x0  }
0x12: {  	s1 =	sld [smem:$0x3F97];
	s0 =	simm.s32 @p0 $0x1  }
0x13: {  	[smem:$0x3FB2] =	sst s0;
	s0 =	simm.s32 @!p1 $0x0  }
0x14: {  	s2 =	sld [smem:$0x3F96];
	s0 =	simm.s32 @p1 $0x1  }
0x15: {  	[smem:$0x3FB3] =	sst s0;
	s0 =	simm.s32 @!p2 $0x0  }
0x16: {  	s3 =	sld [smem:$0x3FDB];
	s0 =	simm.s32 @p2 $0x1  }
0x17: {  	s4 =	simm.s32 $0x1BF5;
	[smem:$0x3FB5] =	sst s0  }
0x18: {  	s0 =	sld [smem:$0x3F98];
	_ =	swait.ge [sflag:s4], $0x0  }
0x19: {  	s7 =	sld [smem:$0x3F99]  }
0x1a: {  	s8 =	sadd.s32 $0xFFFFE003, lr  }
0x1b: {  	s9 =	sadd.s32 $0xFFFFFEF7, lr;
	s5 =	simm.s32 $0xFFFFFFFF;
	p2 =	slt.u32 s8, $0xFFFFF086  }
0x1c: {  	p1 =	slt.u32 s9, $0xF7A;
	s5 =	simm.s32 @!p2 $0x0  }
0x1d: {  	s5 =	simm.s32 @p1 $0x1;
	p0 =	seq.s32 s7, s2  }
0x1e: {  	s7 =	smul.u32 @!p0 $0xF7A, s2;
	p2 =	seq.s32 @!p0 s5, $0x0  }
0x1f: {  	s9 =	smul.u32 $0xF7A, s1;
	s8 =	simm.s32 @!p0 $0x1BF5;
	p2 =	por !p2, p0  }
0x20: {  	[sflag:s8] =	ssyncset.s32 @!p0 $0xFFFFF086;
	s6 =	sadd.s32 @!p0 s3, s7;
	s7 =	simm.s32 @!p0 $0x108  }
0x21: {  	s3 =	sadd.s32 s3, s9;
	s6 =	sadd.s32 @!p0 $0x88, s6;
	s7 =	simm.s32 @p2 $0x1082  }
0x22: {  	[simem:s7], [sflag:s8] =	dma.local @!p0 [hbm:s6], $0xF7A  }
0x23: {  	s9 =	sor.u32 $0xD0000000, s2;
	s6 =	simm.s32 $0x108;
	_ =	swait.ge @!p0 [sflag:s8], $0x0  }
0x24: {  	s3 =	sadd.s32 $0x88, s3;
	s6 =	simm.s32 @!p1 $0x1082;
	[sflag:s4] =	ssyncset.s32 $0xFFFFF086  }
0x25: {  	[simem:s6], [sflag:s4] =	dma.local [hbm:s3], $0xF7A  }
0x26: {  	[smem:$0x3F99] =	sst s1;
	(tag) =	ssettag s2;
	_ =	strace s9  }
0x27: {  	s1 =	sld [smem:$0x3FA9]  }
0x28: {  	s2 =	sld [smem:$0x3FAA]  }
0x29: {  	s4 =	sld [smem:$0x3FAC]  }
0x2a: {  	p0 =	seq.s32 s5, $0x0;
	s5 =	sld [smem:$0x3FAD]  }
0x2b: {  	s6 =	sld [smem:$0x3FAE]  }
0x2c: {  	s7 =	sld [smem:$0x3FAF]  }
0x2d: {  	s3 =	simm.s32 $0x108;
	s8 =	sld [smem:$0x3FB0]  }
0x2e: {  	s3 =	simm.s32 @!p0 $0x1082;
	s9 =	sld [smem:$0x3FB1]  }
0x2f: {  	lr =	sadd.s32 s0, s3;
	s0 =	sld [smem:$0x3FA8]  }
0x30: {  	s3 =	sld [smem:$0x3FAB]  }
0x31: {  	[smem:$0x3FB4] =	sst s10  }
0x32: {  	s10 =	sld [smem:$0x3FB2];
	_ =	sdelay $0x3  }
0x33: {  	p0 =	seq.s32 s10, $0x1;
	s10 =	sld [smem:$0x3FB4];
	_ =	sdelay $0x3  }
0x34: {  	[smem:$0x3FB4] =	sst s10  }
0x35: {  	s10 =	sld [smem:$0x3FB3];
	_ =	sdelay $0x3  }
0x36: {  	p1 =	seq.s32 s10, $0x1;
	s10 =	sld [smem:$0x3FB4];
	_ =	sdelay $0x3  }
0x37: {  	[smem:$0x3FB4] =	sst s10  }
0x38: {  	s10 =	sld [smem:$0x3FB5]  }
0x39: {  	_ = 	snop;
	(pc) =	sbr.ind lr, $3  }
0x3a: {  	_ = 	snop  }
0x3b: {  	_ = 	snop  }
0x3c: {  	p2 =	seq.s32 s10, $0x1;
	s10 =	sld [smem:$0x3FB4]  }
0x3d: {  	_ =	shalt  }
0x3e: {  	_ =	shalt  }
0x3f: {  	_ =	shalt  }
0x40: {  	_ =	shalt  }
0x41: {  	_ =	shalt  }
0x42: {  	_ =	shalt  }
0x43: {  	_ =	shalt  }
0x44: {  	_ =	shalt  }
0x45: {  	_ =	shalt  }
0x46: {  	_ =	shalt  }
0x47: {  	_ =	shalt  }
0x48: {  	_ =	shalt  }
0x49: {  	_ =	shalt  }
0x4a: {  	_ =	shalt  }
0x4b: {  	_ =	shalt  }
0x4c: {  	_ =	shalt  }
0x4d: {  	_ =	shalt  }
0x4e: {  	_ =	shalt  }
0x4f: {  	_ =	shalt  }
0x50: {  	_ =	shalt  }
0x51: {  	_ =	shalt  }
0x52: {  	_ =	shalt  }
0x53: {  	_ =	shalt  }
0x54: {  	_ =	shalt  }
0x55: {  	_ =	shalt  }
0x56: {  	_ =	shalt  }
0x57: {  	_ =	shalt  }
0x58: {  	_ =	shalt  }
0x59: {  	_ =	shalt  }
0x5a: {  	_ =	shalt  }
0x5b: {  	_ =	shalt  }
0x5c: {  	_ =	shalt  }
0x5d: {  	_ =	shalt  }
0x5e: {  	_ =	shalt  }
0x5f: {  	_ =	shalt  }
0x60: {  	_ =	shalt  }
0x61: {  	_ =	shalt  }
0x62: {  	_ =	shalt  }
0x63: {  	_ =	shalt  }
0x64: {  	_ =	shalt  }
0x65: {  	_ =	shalt  }
0x66: {  	_ =	shalt  }
0x67: {  	_ =	shalt  }
0x68: {  	_ =	shalt  }
0x69: {  	_ =	shalt  }
0x6a: {  	_ =	shalt  }
0x6b: {  	_ =	shalt  }
0x6c: {  	_ =	shalt  }
0x6d: {  	_ =	shalt  }
0x6e: {  	_ =	shalt  }
0x6f: {  	_ =	shalt  }
0x70: {  	_ =	shalt  }
0x71: {  	_ =	shalt  }
0x72: {  	_ =	shalt  }
0x73: {  	_ =	shalt  }
0x74: {  	_ =	shalt  }
0x75: {  	_ =	shalt  }
0x76: {  	_ =	shalt  }
0x77: {  	_ =	shalt  }
0x78: {  	_ =	shalt  }
0x79: {  	_ =	shalt  }
0x7a: {  	_ =	shalt  }
0x7b: {  	_ =	shalt  }
0x7c: {  	_ =	shalt  }
0x7d: {  	_ =	shalt  }
0x7e: {  	_ =	shalt  }
0x7f: {  	_ =	shalt  }
0x80: {  	_ =	shalt  }
0x81: {  	_ =	shalt  }
0x82: {  	_ =	shalt  }
0x83: {  	_ =	shalt  }
0x84: {  	_ =	shalt  }
0x85: {  	_ =	shalt  }
0x86: {  	_ =	shalt  }
0x87: {  	_ =	shalt  }
.Lfunc_end0:
.L_simem_size_0:
called_computation_lowered:
.L_overlay_start_0:
0x88: {  	s2 =	sld [smem:$0x3FD9]  }
0x89: {  	s3 =	sld [smem:$0x3FFE];
	_ =	sdelay $0x1  }
0x8a: {  	s1 =	srdreg.scid  }
0x8b: {  	s0 =	sand.u32 $0x1, s1  }
0x8c: {  	s16 =	sshll.u32 s0, $0xA;
	s2 =	sadd.s32 s3, s2  }
0x8d: {  	s2 =	sadd.s32 s2, s16  }
0x8e: {  	[smem:$0x3FC0] =	sst s2  }
0x8f: {  	_ = 	snop  }
0x90: {  	(tm) =	ssettm $0x1  }
0x91: {  	s17 =	sld [smem:$0x3FFB];
	_ =	sdelay $0x3  }
0x92: {  	_ =	strace s17  }
0x93: {  	s2 =	sld [smem:$0x3FFC];
	_ =	sdelay $0x3  }
0x94: {  	_ =	strace s2  }
0x95: {  	s2 =	sld [smem:$0x3FFD];
	_ =	sdelay $0x3  }
0x96: {  	_ =	strace s2  }
0x97: {  	_ =	strace $0x8FFFFFFF  }
0x98: {  	s18 =	sld [smem:$0x3FDB];
	_ =	sdelay $0x1  }
0x99: {  	s19 =	simm.s32 $_scs_section_size  }
0x9a: {  	s4 =	simm.s32 $_size__tile_overlayer_lowered;
	s5 =	simm.s32 $_tile_overlayer_lowered  }
0x9b: {  	s22 =	simm.s32 $0x1BFF;
	s21 =	sshll.u32 s5, $0x1;
	s2 =	sadd.s32 s19, s18  }
0x9c: {  	s6 =	simm.s32 $0x0;
	s20 =	sshll.u32 s4, $0x1;
	s4 =	sadd.s32 s21, s2  }
0x9d: {  	[timem:s6], [sflag:s22] =	dma.local [hbm:s4], s20  }
0x9e: {  	_ =	swait.ge [sflag:s22], s20  }
0x9f: {  	s3 =	ssub.s32 $0x0, s20;
	[sflag:s22] =	ssyncset.done $0x0  }
0xa0: {  	[sflag:s22] =	ssyncadd.s32 s3;
	_ =	sdelay $0x1  }
0xa1: {  	s23 =	simm.s32 $0x1B8B  }
0xa2: {  	_ =	swait.ge [sflag:s23], $0x1  }
0xa3: {  	[sflag:s23] =	ssyncset.done $0x0  }
0xa4: {  	s25 =	simm.s32 $0x1B8E;
	s24 =	sld [smem:$0x3FFE];
	[sflag:s23] =	ssyncadd.s32 $0xFFFFFFFF  }
0xa5: {  	s26 =	simm.s32 $execute0_lowered;
	[smem:$0x3FD2] =	sst s25  }
0xa6: {  	s4 =	sshll.u32 s26, $0x1;
	_ =	strace $0x80000046;
	[dreg:$0x1] =	wrdreg $0xFFFFFFFF  }
0xa7: {  	s28 =	simm.s32 $_size_execute0_lowered;
	s2 =	sadd.s32 s2, s4;
	[dreg:$0x0] =	wrdreg $0x0  }
0xa8: {  	s4 =	sshll.u32 s28, $0x1;
	[dreg:$0x2] =	wrdreg s2  }
0xa9: {  	[dreg:$0x3] =	wrdreg s4  }
0xaa: {  	[dreg:$0x4] =	wrdreg $0xC0  }
0xab: {  	_ =	task [dreg:s6], $0x5FFFF  }
0xac: {  	[dreg:$0x1] =	wrdreg $0xFFFFFFFF  }
0xad: {  	[dreg:$0x0] =	wrdreg $0x60  }
0xae: {  	[dreg:$0x2] =	wrdreg s24  }
0xaf: {  	[dreg:$0x3] =	wrdreg $0x9  }
0xb0: {  	_ =	task.clear_ibuf [dreg:s6], $0x4FFFF;
	_ =	strace $0x90000046  }
0xb1: {  	s29 =	simm.s32 $0x9;
	_ =	strace $0x80000048  }
0xb2: {  	_ =	swait.ge [sflag:s29], $0x1  }
0xb3: {  	[sflag:s29] =	ssyncadd.s32 $0xFFFFFFFF  }
0xb4: {  	_ =	strace $0x90000048  }
0xb5: {  	_ =	sfence  }
0xb6: {  	s30 =	sld [smem:$0x0];
	_ =	sdelay $0x2  }
0xb7: {  	s31 =	sshll.u32 s1, $0xD;
	s1 =	sshrl.u32 s1, $0x2  }
0xb8: {  	s3 =	sand.u32 $0x4000, s31;
	s1 =	sadd.s32 s1, s30  }
0xb9: {  	s0 =	sor.u32 s3, s0;
	s1 =	sshll.u32 s1, $0x11  }
0xba: {  	s0 =	sor.u32 s1, s0  }
0xbb: {  	s0 =	sadd.s32 $0x8F2B, s0  }
0xbc: {  	[sflag:s0] =	ssyncadd.remote.s32 $0x1  }
0xbd: {  	_ =	sfence.sel $0xFFFF  }
0xbe: {  	[dreg:$0x0] =	wrdreg $0xFFFFFFFF;
	(pc) =	sbr.abs _section_cstart, $3  }
0xbf: {  	[dreg:$0x1] =	wrdreg $0xFFFFFFFF  }
0xc0: {  	_ =	task.clear_ibuf [dreg:s6], $0x2FFFF;
	_ =	strace $0x9FFFFFFF  }
0xc1: {  	(tm) =	ssettm $0x7FFFFFFF  }
tec
execute0_lowered:
.L_overlay_start_1:
0x0: {  	(tag) =	ssettag $0x1  }
0x1: {  	s1 =	srdreg.scid  }
0x2: {  	s0 =	stileid.u32;
	s3 =	rddreg [dreg:$0x0];
	s8 =	simm.s32 $0x80  }
0x3: {  	s9 =	simm.s32 $0x400;
	s10 =	simm.s32 $0x2;
	s11 =	simm.s32 $0x0  }
0x4: {  	s4 =	sand.u32 $0x1, s1;
	s2 =	sshll.u32 s0, $0x1;
	s1 =	rddreg [dreg:$0x1]  }
0x5: {  	s6 =	sshrl.u32 s0, $0x2;
	s5 =	sor.u32 s4, s2;
	s2 =	simm.s32 $0x0  }
0x6: {  	s6 =	smul.u32 $0x14000, s6;
	s4 =	ssub.s32 $0x2, s4;
	s7 =	sshll.u32 s5, $0x7  }
0x7: {  	[smem:$0x7FF] =	sst s2;
	s5 =	smul.u32 $0x4E2, s5;
	s7 =	sand.u32 $0x380, s7  }
0x8: {  	s31 =	sshrl.u32 s4, $0x1;
	_ =	strace $0x80000047;
	s6 =	sor.u32 s6, s7  }
0x9: {  	s5 =	sadd.s32 s5, s3;
	s7 =	ssub.s32 s4, s31;
	s6 =	sshrl.u32 s6, $0x3  }
0xa: {  	s6 =	sadd.s32 s6, s3;
	s3 =	sadd.s32 $0x1C00, s5;
	s5 =	smax.u32 s7, $0x1  }
0xb: {  	v0 =	vimm.f32 $0.0e+00;
	v1 =	vimm.f32 $1.000000000e+00;
	s7 =	simm.s32 $0x2780;
	s4 =	sadd.s32 $0x15800, s6;
	s6 =	simm.s32 $0x1  }
.LBB2_1:
0xc: {  	[tilespmem:s2], [sflag:$0x1] =	stream.linear.gather [hbm4b:s3+s2], $0x2710, $0x38;
	[tilespmem:$0x4F80] =	vst v63  }
0xd: {  	s12 =	simm.s32 $0x2980  }
0xe: {  	[tilespmem:s12+$0xFFFFFE00] =	vst v0  }
0xf: {  	[tilespmem:s12+$0x1F0] =	vst v0  }
0x10: {  	[tilespmem:s12+$0x1E0] =	vst v0  }
0x11: {  	[tilespmem:s12+$0x1D0] =	vst v0  }
0x12: {  	[tilespmem:s12+$0x1C0] =	vst v0  }
0x13: {  	[tilespmem:s12+$0x1B0] =	vst v0  }
0x14: {  	[tilespmem:s12+$0x1A0] =	vst v0  }
0x15: {  	[tilespmem:s12+$0x190] =	vst v0  }
0x16: {  	[tilespmem:s12+$0x180] =	vst v0  }
0x17: {  	[tilespmem:s12+$0x170] =	vst v0  }
0x18: {  	[tilespmem:s12+$0x160] =	vst v0  }
0x19: {  	[tilespmem:s12+$0x150] =	vst v0  }
0x1a: {  	[tilespmem:s12+$0x140] =	vst v0  }
0x1b: {  	[tilespmem:s12+$0x130] =	vst v0  }
0x1c: {  	[tilespmem:s12+$0x120] =	vst v0  }
0x1d: {  	[tilespmem:s12+$0x110] =	vst v0  }
0x1e: {  	[tilespmem:s12+$0x100] =	vst v0  }
0x1f: {  	[tilespmem:s12+$0xF0] =	vst v0  }
0x20: {  	[tilespmem:s12+$0xE0] =	vst v0  }
0x21: {  	[tilespmem:s12+$0xD0] =	vst v0  }
0x22: {  	[tilespmem:s12+$0xC0] =	vst v0  }
0x23: {  	[tilespmem:s12+$0xB0] =	vst v0  }
0x24: {  	[tilespmem:s12+$0xA0] =	vst v0  }
0x25: {  	[tilespmem:s12+$0x90] =	vst v0  }
0x26: {  	[tilespmem:s12+$0x80] =	vst v0  }
0x27: {  	[tilespmem:s12+$0x70] =	vst v0  }
0x28: {  	[tilespmem:s12+$0x60] =	vst v0  }
0x29: {  	[tilespmem:s12+$0x50] =	vst v0  }
0x2a: {  	[tilespmem:s12+$0x40] =	vst v0  }
0x2b: {  	[tilespmem:s12+$0x30] =	vst v0  }
0x2c: {  	[tilespmem:s12+$0x20] =	vst v0  }
0x2d: {  	[tilespmem:s12+$0x10] =	vst v0  }
0x2e: {  	[tilespmem:s12+$0x0] =	vst v0  }
0x2f: {  	[tilespmem:s12+$0xFFFFFFF0] =	vst v0  }
0x30: {  	[tilespmem:s12+$0xFFFFFFE0] =	vst v0  }
0x31: {  	[tilespmem:s12+$0xFFFFFFD0] =	vst v0  }
0x32: {  	[tilespmem:s12+$0xFFFFFFC0] =	vst v0  }
0x33: {  	[tilespmem:s12+$0xFFFFFFB0] =	vst v0  }
0x34: {  	[tilespmem:s12+$0xFFFFFFA0] =	vst v0  }
0x35: {  	[tilespmem:s12+$0xFFFFFF90] =	vst v0  }
0x36: {  	[tilespmem:s12+$0xFFFFFF80] =	vst v0  }
0x37: {  	[tilespmem:s12+$0xFFFFFF70] =	vst v0  }
0x38: {  	[tilespmem:s12+$0xFFFFFF60] =	vst v0  }
0x39: {  	[tilespmem:s12+$0xFFFFFF50] =	vst v0  }
0x3a: {  	[tilespmem:s12+$0xFFFFFF40] =	vst v0  }
0x3b: {  	[tilespmem:s12+$0xFFFFFF30] =	vst v0  }
0x3c: {  	[tilespmem:s12+$0xFFFFFF20] =	vst v0  }
0x3d: {  	[tilespmem:s12+$0xFFFFFF10] =	vst v0  }
0x3e: {  	[tilespmem:s12+$0xFFFFFF00] =	vst v0  }
0x3f: {  	[tilespmem:s12+$0xFFFFFEF0] =	vst v0  }
0x40: {  	[tilespmem:s12+$0xFFFFFEE0] =	vst v0  }
0x41: {  	[tilespmem:s12+$0xFFFFFED0] =	vst v0  }
0x42: {  	[tilespmem:s12+$0xFFFFFEC0] =	vst v0  }
0x43: {  	[tilespmem:s12+$0xFFFFFEB0] =	vst v0  }
0x44: {  	[tilespmem:s12+$0xFFFFFEA0] =	vst v0  }
0x45: {  	[tilespmem:s12+$0xFFFFFE90] =	vst v0  }
0x46: {  	[tilespmem:s12+$0xFFFFFE80] =	vst v0  }
0x47: {  	[tilespmem:s12+$0xFFFFFE70] =	vst v0  }
0x48: {  	[tilespmem:s12+$0xFFFFFE60] =	vst v0  }
0x49: {  	[tilespmem:s12+$0xFFFFFE50] =	vst v0  }
0x4a: {  	[tilespmem:s12+$0xFFFFFE40] =	vst v0  }
0x4b: {  	[tilespmem:s12+$0xFFFFFE30] =	vst v0  }
0x4c: {  	s13 =	simm.s32 $0x0;
	[tilespmem:s12+$0xFFFFFE20] =	vst v0  }
.LBB2_2:
0x4d: {  	s13 =	sadd.s32 $0x4, s13;
	[tilespmem:s12+$0xFFFFFE10] =	vst v0;
	s12 =	sadd.s32 $0x400, s12  }
0x4e: {  	[tilespmem:s12+$0xFFFFFE00] =	vst v0;
	p0 =	slt.u32 s13, $0x24  }
0x4f: {  	[tilespmem:s12+$0x1F0] =	vst v0  }
0x50: {  	[tilespmem:s12+$0x1E0] =	vst v0  }
0x51: {  	[tilespmem:s12+$0x1D0] =	vst v0  }
0x52: {  	[tilespmem:s12+$0x1C0] =	vst v0  }
0x53: {  	[tilespmem:s12+$0x1B0] =	vst v0  }
0x54: {  	[tilespmem:s12+$0x1A0] =	vst v0  }
0x55: {  	[tilespmem:s12+$0x190] =	vst v0  }
0x56: {  	[tilespmem:s12+$0x180] =	vst v0  }
0x57: {  	[tilespmem:s12+$0x170] =	vst v0  }
0x58: {  	[tilespmem:s12+$0x160] =	vst v0  }
0x59: {  	[tilespmem:s12+$0x150] =	vst v0  }
0x5a: {  	[tilespmem:s12+$0x140] =	vst v0  }
0x5b: {  	[tilespmem:s12+$0x130] =	vst v0  }
0x5c: {  	[tilespmem:s12+$0x120] =	vst v0  }
0x5d: {  	[tilespmem:s12+$0x110] =	vst v0  }
0x5e: {  	[tilespmem:s12+$0x100] =	vst v0  }
0x5f: {  	[tilespmem:s12+$0xF0] =	vst v0  }
0x60: {  	[tilespmem:s12+$0xE0] =	vst v0  }
0x61: {  	[tilespmem:s12+$0xD0] =	vst v0  }
0x62: {  	[tilespmem:s12+$0xC0] =	vst v0  }
0x63: {  	[tilespmem:s12+$0xB0] =	vst v0  }
0x64: {  	[tilespmem:s12+$0xA0] =	vst v0  }
0x65: {  	[tilespmem:s12+$0x90] =	vst v0  }
0x66: {  	[tilespmem:s12+$0x80] =	vst v0  }
0x67: {  	[tilespmem:s12+$0x70] =	vst v0  }
0x68: {  	[tilespmem:s12+$0x60] =	vst v0  }
0x69: {  	[tilespmem:s12+$0x50] =	vst v0  }
0x6a: {  	[tilespmem:s12+$0x40] =	vst v0  }
0x6b: {  	[tilespmem:s12+$0x30] =	vst v0  }
0x6c: {  	[tilespmem:s12+$0x20] =	vst v0  }
0x6d: {  	[tilespmem:s12+$0x10] =	vst v0  }
0x6e: {  	[tilespmem:s12+$0x0] =	vst v0  }
0x6f: {  	[tilespmem:s12+$0xFFFFFFF0] =	vst v0  }
0x70: {  	[tilespmem:s12+$0xFFFFFFE0] =	vst v0  }
0x71: {  	[tilespmem:s12+$0xFFFFFFD0] =	vst v0  }
0x72: {  	[tilespmem:s12+$0xFFFFFFC0] =	vst v0  }
0x73: {  	[tilespmem:s12+$0xFFFFFFB0] =	vst v0  }
0x74: {  	[tilespmem:s12+$0xFFFFFFA0] =	vst v0  }
0x75: {  	[tilespmem:s12+$0xFFFFFF90] =	vst v0  }
0x76: {  	[tilespmem:s12+$0xFFFFFF80] =	vst v0  }
0x77: {  	[tilespmem:s12+$0xFFFFFF70] =	vst v0  }
0x78: {  	[tilespmem:s12+$0xFFFFFF60] =	vst v0  }
0x79: {  	[tilespmem:s12+$0xFFFFFF50] =	vst v0  }
0x7a: {  	[tilespmem:s12+$0xFFFFFF40] =	vst v0  }
0x7b: {  	[tilespmem:s12+$0xFFFFFF30] =	vst v0  }
0x7c: {  	[tilespmem:s12+$0xFFFFFF20] =	vst v0  }
0x7d: {  	[tilespmem:s12+$0xFFFFFF10] =	vst v0  }
0x7e: {  	[tilespmem:s12+$0xFFFFFF00] =	vst v0  }
0x7f: {  	[tilespmem:s12+$0xFFFFFEF0] =	vst v0  }
0x80: {  	[tilespmem:s12+$0xFFFFFEE0] =	vst v0  }
0x81: {  	[tilespmem:s12+$0xFFFFFED0] =	vst v0  }
0x82: {  	[tilespmem:s12+$0xFFFFFEC0] =	vst v0  }
0x83: {  	[tilespmem:s12+$0xFFFFFEB0] =	vst v0  }
0x84: {  	[tilespmem:s12+$0xFFFFFEA0] =	vst v0  }
0x85: {  	[tilespmem:s12+$0xFFFFFE90] =	vst v0  }
0x86: {  	[tilespmem:s12+$0xFFFFFE80] =	vst v0  }
0x87: {  	[tilespmem:s12+$0xFFFFFE70] =	vst v0  }
.Ltmp0:
0x88: {  	[tilespmem:s12+$0xFFFFFE60] =	vst v0;
	(pc) =	sbr.rel @p0 .LBB2_2-.Ltmp0, $4  }
0x89: {  	[tilespmem:s12+$0xFFFFFE50] =	vst v0  }
0x8a: {  	[tilespmem:s12+$0xFFFFFE40] =	vst v0  }
0x8b: {  	[tilespmem:s12+$0xFFFFFE30] =	vst v0  }
0x8c: {  	[tilespmem:s12+$0xFFFFFE20] =	vst v0  }
0x8d: {  	[tilespmem:s12+$0xFFFFFE10] =	vst v0  }
0x8e: {  	_ =	swait.ge [sflag:s6], $0x2710  }
0x8f: {  	[sflag:s6] =	ssyncset.done $0x0  }
0x90: {  	s12 =	simm.s32 $0x80;
	[sflag:s6] =	ssyncadd.s32 $0xFFFFD8F0  }
0x91: {  	v3 =	vld [tilespmem:s12+$0x30]  }
0x92: {  	v4 =	vld [tilespmem:s12+$0x40]  }
0x93: {  	v2 =	vld [tilespmem:s12+$0xFFFFFF80]  }
0x94: {  	v5 =	vld [tilespmem:s12+$0x70]  }
0x95: {  	v6 =	vld [tilespmem:s12+$0xFFFFFFD0]  }
0x96: {  	v7 =	vld [tilespmem:s12+$0xFFFFFFE0]  }
0x97: {  	v8 =	vld [tilespmem:s12+$0xFFFFFFF0]  }
0x98: {  	v9 =	vld [tilespmem:s12+$0x0]  }
0x99: {  	v10 =	vld [tilespmem:s12+$0x60]  }
0x9a: {  	v11 =	vld [tilespmem:s12+$0x50]  }
0x9b: {  	v62 =	vld [tilespmem:s12+$0xFFFFFFA0]  }
0x9c: {  	v12 =	vld [tilespmem:s12+$0x20]  }
0x9d: {  	v13 =	vld [tilespmem:s12+$0x10]  }
0x9e: {  	v63 =	vld [tilespmem:s12+$0xFFFFFFB0]  }
0x9f: {  	[tilespmem:v2+s7+$0x0] =	vst.idx.add.f32.msk $0xffff, v1  }
0xa0: {  	[tilespmem:v5+s7+$0x0] =	vst.idx.add.f32.msk $0xffff, v1  }
0xa1: {  	v2 =	vld [tilespmem:s12+$0xFFFFFF90]  }
0xa2: {  	[tilespmem:v10+s7+$0x0] =	vst.idx.add.f32.msk $0xffff, v1  }
0xa3: {  	[tilespmem:v11+s7+$0x0] =	vst.idx.add.f32.msk $0xffff, v1  }
0xa4: {  	[tilespmem:v4+s7+$0x0] =	vst.idx.add.f32.msk $0xffff, v1  }
0xa5: {  	[tilespmem:v3+s7+$0x0] =	vst.idx.add.f32.msk $0xffff, v1  }
0xa6: {  	v3 =	vld [tilespmem:s12+$0xFFFFFFC0]  }
0xa7: {  	[tilespmem:v12+s7+$0x0] =	vst.idx.add.f32.msk $0xffff, v1  }
0xa8: {  	[tilespmem:v13+s7+$0x0] =	vst.idx.add.f32.msk $0xffff, v1  }
0xa9: {  	[tilespmem:v9+s7+$0x0] =	vst.idx.add.f32.msk $0xffff, v1  }
0xaa: {  	[tilespmem:v8+s7+$0x0] =	vst.idx.add.f32.msk $0xffff, v1  }
0xab: {  	[tilespmem:v7+s7+$0x0] =	vst.idx.add.f32.msk $0xffff, v1  }
0xac: {  	[tilespmem:v6+s7+$0x0] =	vst.idx.add.f32.msk $0xffff, v1  }
0xad: {  	[tilespmem:v63+s7+$0x0] =	vst.idx.add.f32.msk $0xffff, v1  }
0xae: {  	[tilespmem:v62+s7+$0x0] =	vst.idx.add.f32.msk $0xffff, v1  }
0xaf: {  	s13 =	simm.s32 $0x0;
	[tilespmem:v3+s7+$0x0] =	vst.idx.add.f32.msk $0xffff, v1  }
.LBB2_4:
0xb0: {  	s13 =	sadd.s32 $0x10, s13;
	[tilespmem:v2+s7+$0x0] =	vst.idx.add.f32.msk $0xffff, v1;
	s12 =	sadd.s32 $0x100, s12  }
0xb1: {  	v3 =	vld [tilespmem:s12+$0x30];
	p0 =	slt.u32 s13, $0x260  }
0xb2: {  	v4 =	vld [tilespmem:s12+$0x40]  }
0xb3: {  	v2 =	vld [tilespmem:s12+$0xFFFFFF80]  }
0xb4: {  	v5 =	vld [tilespmem:s12+$0x70]  }
0xb5: {  	v6 =	vld [tilespmem:s12+$0xFFFFFFD0]  }
0xb6: {  	v7 =	vld [tilespmem:s12+$0xFFFFFFE0]  }
0xb7: {  	v8 =	vld [tilespmem:s12+$0xFFFFFFF0]  }
0xb8: {  	v9 =	vld [tilespmem:s12+$0x0]  }
0xb9: {  	v10 =	vld [tilespmem:s12+$0x60]  }
0xba: {  	v11 =	vld [tilespmem:s12+$0x50]  }
0xbb: {  	[tilespmem:v2+s7+$0x0] =	vst.idx.add.f32.msk $0xffff, v1  }
0xbc: {  	[tilespmem:v5+s7+$0x0] =	vst.idx.add.f32.msk $0xffff, v1  }
0xbd: {  	v2 =	vld [tilespmem:s12+$0xFFFFFF90]  }
0xbe: {  	v5 =	vld [tilespmem:s12+$0xFFFFFFA0]  }
0xbf: {  	v12 =	vld [tilespmem:s12+$0x20]  }
0xc0: {  	v13 =	vld [tilespmem:s12+$0x10]  }
0xc1: {  	[tilespmem:v10+s7+$0x0] =	vst.idx.add.f32.msk $0xffff, v1  }
0xc2: {  	[tilespmem:v11+s7+$0x0] =	vst.idx.add.f32.msk $0xffff, v1  }
0xc3: {  	[tilespmem:v4+s7+$0x0] =	vst.idx.add.f32.msk $0xffff, v1  }
0xc4: {  	[tilespmem:v3+s7+$0x0] =	vst.idx.add.f32.msk $0xffff, v1  }
0xc5: {  	v3 =	vld [tilespmem:s12+$0xFFFFFFC0]  }
0xc6: {  	v4 =	vld [tilespmem:s12+$0xFFFFFFB0]  }
0xc7: {  	[tilespmem:v12+s7+$0x0] =	vst.idx.add.f32.msk $0xffff, v1  }
0xc8: {  	[tilespmem:v13+s7+$0x0] =	vst.idx.add.f32.msk $0xffff, v1  }
0xc9: {  	[tilespmem:v9+s7+$0x0] =	vst.idx.add.f32.msk $0xffff, v1  }
0xca: {  	[tilespmem:v8+s7+$0x0] =	vst.idx.add.f32.msk $0xffff, v1  }
.Ltmp1:
0xcb: {  	[tilespmem:v7+s7+$0x0] =	vst.idx.add.f32.msk $0xffff, v1;
	(pc) =	sbr.rel @p0 .LBB2_4-.Ltmp1, $4  }
0xcc: {  	[tilespmem:v6+s7+$0x0] =	vst.idx.add.f32.msk $0xffff, v1  }
0xcd: {  	[tilespmem:v3+s7+$0x0] =	vst.idx.add.f32.msk $0xffff, v1  }
0xce: {  	[tilespmem:v4+s7+$0x0] =	vst.idx.add.f32.msk $0xffff, v1  }
0xcf: {  	[tilespmem:v5+s7+$0x0] =	vst.idx.add.f32.msk $0xffff, v1  }
0xd0: {  	_ =	sdelay $0x3  }
0xd1: {  	[tilespmem:v2+s7+$0x0] =	vst.idx.add.f32.msk $0xffff, v1  }
0xd2: {  	v2 =	vld [tilespmem:$0x2700];
	_ =	sdelay $0x5  }
0xd3: {  	s11 =	sadd.s32 $0x1, s11  }
0xd4: {  	p0 =	sne.s32 s11, s5  }
.Ltmp2:
0xd5: {  	[tilespmem:v2+s7+$0x0] =	vst.idx.add.f32.msk $0xffff, v1;
	(pc) =	sbr.rel @p0 .LBB2_1-.Ltmp2, $4  }
0xd6: {  	[hbm4b:s4+s8] =	stream.strided.scatter [tilespmem:s7], [sflag:$0x2], $0x2800, s9, s8, $0x38;
	[tilespmem:$0x4F80] =	vst v63  }
0xd7: {  	_ =	swait.ge [sflag:s10], $0x2800  }
0xd8: {  	[sflag:s10] =	ssyncset.done $0x0  }
0xd9: {  	[sflag:s10] =	ssyncadd.s32 $0xFFFFD800  }
0xda: {  	_ =	sfence.sel $0x180000  }
0xdb: {  	[bflag:$0x0] =	sbarrier.arrive $0xFFFF  }
0xdc: {  	p0 =	sne.s32 s0, $0x0;
	_ =	strace $0x90000047  }
0xdd: {  	s0 =	sadd.s32 @!p0 $0x100000, s1;
	[bflag:$0x2] =	sbarrier.arrive $0xFFFF  }
0xde: {  	[sflag:s0] =	ssyncadd.tile.s32 @!p0 $0x1;
	_ =	shalt  }
.Lfunc_end2:
_tile_overlayer_lowered:
.L_overlay_start_2:
0xdf: {  	(tag) =	ssettag $0x2  }
0xe0: {  	s0 =	rddreg [dreg:$0x0];
	s2 =	stileid.u32  }
0xe1: {  	s1 =	rddreg [dreg:$0x1];
	p0 =	sne.s32 s2, $0x0  }
0xe2: {  	s3 =	rddreg [dreg:$0x2];
	[bflag:$0x3] =	sbarrier.arrive $0xFFFF;
	s2 =	simm.s32 @!p0 $0x1C02  }
0xe3: {  	[timem:s3], [sflag:s2] =	dma.local @!p0 [hbm:s0], s1  }
0xe4: {  	s0 =	simm.s32 @!p0 $0x2  }
0xe5: {  	_ =	swait.ge @!p0 [sflag:s0], s1  }
0xe6: {  	s1 =	ssub.s32 @!p0 $0x0, s1;
	[sflag:s0] =	ssyncset.done @!p0 $0x0  }
0xe7: {  	[sflag:s0] =	ssyncadd.s32 @!p0 s1  }
0xe8: {  	[bflag:$0x3] =	sbarrier.arrive $0xFFFF  }
0xe9: {  	_ =	shalt  }

</sc_bundles>
